<compile_context>
chip_gen: v7x
topology: tpu7x:2x2x1
jax: 0.10.2.dev20260603
libtpu: 0.0.44.dev20260713+nightly
codegen_flags: <defaults>
</compile_context>

<pallas_src>
import functools

import jax
import jax.numpy as jnp
from jax import lax
from jax.experimental import pallas as pl
from jax.experimental.pallas import tpu as pltpu
from jax.experimental.pallas import tpu_sc as plsc

NC = 2
NS = 16
NW = NC * NS


def _make_edge_agg(N, NG, D, G, nb):
    base_g = NG // NW
    rem = NG % NW
    peel = (nb - 1) + (base_g - nb) % nb
    assert base_g >= peel + 2
    rows_per_sub = N // NS
    mesh = plsc.VectorSubcoreMesh(core_axis_name="c", subcore_axis_name="s")

    @functools.partial(
        pl.kernel,
        out_type=jax.ShapeDtypeStruct((NC, N, D), jnp.float32),
        mesh=mesh,
        compiler_params=pltpu.CompilerParams(use_tc_tiling_on_sc=False),
        scratch_types=[
            pltpu.VMEM_SHARED((N, D), jnp.float32),
            pltpu.VMEM((base_g + 1, G), jnp.int32),
            pltpu.VMEM((base_g + 1, G), jnp.int32),
        ] + [pltpu.VMEM((G, D), jnp.float32)] * nb
          + [pltpu.SemaphoreType.DMA] * (2 * nb),
    )
    def agg_kernel(table_hbm, src_hbm, dst_hbm, zeros_hbm, out_hbm,
                   acc, isl, idl, *bufs):
        rows = bufs[:nb]
        sg = bufs[nb:2 * nb]
        ss = bufs[2 * nb:3 * nb]
        cid = lax.axis_index("c")
        sid = lax.axis_index("s")
        wid = sid * NC + cid
        r0 = sid * rows_per_sub
        row0 = base_g * wid + jnp.minimum(wid, rem)
        pltpu.async_copy(zeros_hbm, acc.at[pl.ds(r0, rows_per_sub)], sg[0])
        pltpu.async_copy(src_hbm.at[pl.ds(row0, base_g + 1)], isl, sg[1])
        pltpu.async_copy(dst_hbm.at[pl.ds(row0, base_g + 1)], idl, ss[0])
        pltpu.make_async_copy(zeros_hbm, acc.at[pl.ds(r0, rows_per_sub)], sg[0]).wait()
        pltpu.make_async_copy(src_hbm.at[pl.ds(row0, base_g + 1)], isl, sg[1]).wait()
        pltpu.make_async_copy(dst_hbm.at[pl.ds(row0, base_g + 1)], idl, ss[0]).wait()
        has_extra = wid < rem
        plsc.subcore_barrier()

        def start_gather(j, b):
            pltpu.async_copy(table_hbm.at[isl.at[j]], rows[b], sg[b])

        def wait_gather(j, b):
            pltpu.make_async_copy(table_hbm.at[isl.at[j]], rows[b], sg[b]).wait()

        def start_scatter(j, b):
            pltpu.async_copy(rows[b], acc.at[idl.at[j]], ss[b], add=True)

        def wait_scatter(j, b):
            pltpu.make_async_copy(rows[b], acc.at[idl.at[j]], ss[b]).wait()

        start_gather(0, 0)
        for g in range(peel):
            wait_gather(g, g % nb)
            if g >= nb - 1:
                wait_scatter(g - (nb - 1), (g + 1) % nb)
            start_gather(g + 1, (g + 1) % nb)
            start_scatter(g, g % nb)

        @pl.loop(0, (base_g - 1 - peel) // nb)
        def _(i):
            for k in range(nb):
                g = nb * i + peel + k
                b = (peel + k) % nb
                wait_gather(g, b)
                wait_scatter(g - (nb - 1), (b + 1) % nb)
                start_gather(g + 1, (b + 1) % nb)
                start_scatter(g, b)

        g = base_g - 1
        b = g % nb
        bx = (b + 1) % nb
        wait_gather(g, b)
        wait_scatter(g - (nb - 1), bx)

        @pl.when(has_extra)
        def _():
            start_gather(base_g, bx)
        start_scatter(g, b)

        @pl.when(has_extra)
        def _():
            wait_gather(base_g, bx)
            start_scatter(base_g, bx)

        for g2 in range(base_g - nb + 1, base_g):
            wait_scatter(g2, g2 % nb)

        @pl.when(has_extra)
        def _():
            wait_scatter(base_g, base_g % nb)

        plsc.subcore_barrier()
        pltpu.sync_copy(acc.at[pl.ds(r0, rows_per_sub)],
                        out_hbm.at[cid, pl.ds(r0, rows_per_sub)])

    return agg_kernel


def _dense1_call(parts, x_ext, F, wl1t, b1, wr1t, wl2t, b2, wr2t, D1, D2, BLK):
    NP = x_ext.shape[0]
    H = wl1t.shape[1]
    C = wl2t.shape[1]
    grid = NP // BLK

    def body(p_ref, x_ref, wl1_ref, b1_ref, wr1_ref, wl2_ref, b2_ref, wr2_ref,
             y2_ref, zr_ref, dinv_ref):
        p = p_ref[0] + p_ref[1]
        feat = p[:, :F]
        deg = p[:, F:F + 1]
        dinv = 1.0 / jnp.maximum(deg, 1.0)
        mean = feat * dinv
        h = jnp.dot(mean, wl1_ref[...], preferred_element_type=jnp.float32)
        h = h + b1_ref[...]
        h = h + jnp.dot(x_ref[:, :F], wr1_ref[...], preferred_element_type=jnp.float32)
        h = jnp.maximum(h, 0.0)
        y2 = jnp.dot(h, wl2_ref[...], preferred_element_type=jnp.float32)
        zr = jnp.dot(h, wr2_ref[...], preferred_element_type=jnp.float32) + b2_ref[...]
        y2_ref[...] = jnp.pad(y2, ((0, 0), (0, D2 - C)))
        zr_ref[...] = zr
        dinv_ref[...] = jnp.broadcast_to(dinv, (BLK, 8))

    full = lambda s: pl.BlockSpec(s, lambda i: (0,) * len(s))
    return pl.pallas_call(
        body,
        grid=(grid,),
        in_specs=[
            pl.BlockSpec((NC, BLK, D1), lambda i: (0, i, 0)),
            pl.BlockSpec((BLK, D1), lambda i: (i, 0)),
            full((F, H)),
            full((1, H)),
            full((F, H)),
            full((H, C)),
            full((1, C)),
            full((H, C)),
        ],
        out_specs=[
            pl.BlockSpec((BLK, D2), lambda i: (i, 0)),
            pl.BlockSpec((BLK, C), lambda i: (i, 0)),
            pl.BlockSpec((BLK, 8), lambda i: (i, 0)),
        ],
        out_shape=[
            jax.ShapeDtypeStruct((NP, D2), jnp.float32),
            jax.ShapeDtypeStruct((NP, C), jnp.float32),
            jax.ShapeDtypeStruct((NP, 8), jnp.float32),
        ],
    )(parts, x_ext, wl1t, b1, wr1t, wl2t, b2, wr2t)


def _dense2_call(parts2, zr, dinv, N, D2, BLK):
    C = zr.shape[1]
    grid = N // BLK

    def body(p_ref, zr_ref, dinv_ref, o_ref):
        p = p_ref[0] + p_ref[1]
        v = p[:, :C] * dinv_ref[:, 0:1] + zr_ref[...]
        m = jnp.max(v, axis=1, keepdims=True)
        e = jnp.exp(v - m)
        s = jnp.sum(e, axis=1, keepdims=True)
        o_ref[...] = v - m - jnp.log(s)

    return pl.pallas_call(
        body,
        grid=(grid,),
        in_specs=[
            pl.BlockSpec((NC, BLK, D2), lambda i: (0, i, 0)),
            pl.BlockSpec((BLK, C), lambda i: (i, 0)),
            pl.BlockSpec((BLK, 8), lambda i: (i, 0)),
        ],
        out_specs=pl.BlockSpec((BLK, C), lambda i: (i, 0)),
        out_shape=jax.ShapeDtypeStruct((N, C), jnp.float32),
    )(parts2, zr, dinv)


def kernel(x, edge_index, W_l1, b_l1, W_r1, W_l2, b_l2, W_r2):
    N, F = x.shape
    E = edge_index.shape[1]
    C = W_l2.shape[0]
    D1 = F + 8
    D2 = 48
    BLK = 1264
    NP = ((N + 8 * NS - 1) // (8 * NS)) * (8 * NS)
    G1, G2 = 80, 128
    assert E % G1 == 0 and E % G2 == 0
    NG1, NG2 = E // G1, E // G2

    def idx_blocks(G, NG):
        ngp = ((NG + 1 + 7) // 8) * 8
        s = jnp.pad(edge_index[0], (0, ngp * G - E)).reshape(ngp, G)
        d = jnp.pad(edge_index[1], (0, ngp * G - E)).reshape(ngp, G)
        return s, d

    src1, dst1 = idx_blocks(G1, NG1)
    src2, dst2 = (src1, dst1) if G2 == G1 else idx_blocks(G2, NG2)

    x_ext = jnp.concatenate(
        [x, jnp.ones((N, 1), x.dtype), jnp.zeros((N, D1 - F - 1), x.dtype)],
        axis=1)
    x_ext = jnp.pad(x_ext, ((0, NP - N), (0, 0)))
    zeros1 = jnp.zeros((NP // NS, D1), jnp.float32)
    zeros2 = jnp.zeros((NP // NS, D2), jnp.float32)

    agg1 = _make_edge_agg(NP, NG1, D1, G1, 2)
    parts1 = agg1(x_ext, src1, dst1, zeros1)

    y2, zr, dinv = _dense1_call(
        parts1, x_ext, F, W_l1.T, b_l1.reshape(1, -1), W_r1.T,
        W_l2.T, b_l2.reshape(1, -1), W_r2.T, D1, D2, BLK)

    agg2 = _make_edge_agg(NP, NG2, D2, G2, 3)
    parts2 = agg2(y2, src2, dst2, zeros2)

    return _dense2_call(parts2, zr, dinv, N, D2, 1000)

# --- scband reference (transcript-rebuilt; emitter-appended) ---
"""Pipeline reference for scband-graph-sagemodel-48773648613779 (READ-ONLY COPY).

The authoritative reference and input builder live on the scoring server;
editing this copy changes nothing except your own understanding.
"""

import jax, jax.numpy as jnp
import numpy as np

N = 10000
E = 320000
F_IN = 128
H = 256
C = 40


def setup_inputs(seed: int = 0) -> dict:
    key = jax.random.key(seed)
    ks = jax.random.split(key, 8)
    x = jax.random.normal(ks[0], (N, F_IN), dtype=jnp.float32)
    edge_index = jax.random.randint(ks[1], (2, E), 0, N, dtype=jnp.int32)
    # SAGEConv layer 1: lin_l (with bias, applied to aggregated neighbors), lin_r (no bias, root)
    W_l1 = jax.random.normal(ks[2], (H, F_IN), dtype=jnp.float32) * 0.05
    b_l1 = jnp.zeros((H,), dtype=jnp.float32)
    W_r1 = jax.random.normal(ks[3], (H, F_IN), dtype=jnp.float32) * 0.05
    # SAGEConv layer 2
    W_l2 = jax.random.normal(ks[4], (C, H), dtype=jnp.float32) * 0.05
    b_l2 = jnp.zeros((C,), dtype=jnp.float32)
    W_r2 = jax.random.normal(ks[5], (C, H), dtype=jnp.float32) * 0.05
    return {"x": x, "edge_index": edge_index, "W_l1": W_l1, "b_l1": b_l1, "W_r1": W_r1, "W_l2": W_l2, "b_l2": b_l2, "W_r2": W_r2}


def _sage_conv(h, src, dst, W_l, b_l, W_r):
    # message = x_src, aggregate mean at dst, then lin_l(agg) + lin_r(x)
    msg = h[src]
    agg = jax.ops.segment_sum(msg, dst, num_segments=N)
    deg = jax.ops.segment_sum(jnp.ones((src.shape[0],), dtype=h.dtype), dst, num_segments=N)
    mean = agg / jnp.clip(deg, 1.0)[:, None]
    return mean @ W_l.T + b_l + h @ W_r.T


def reference(x, edge_index, W_l1, b_l1, W_r1, W_l2, b_l2, W_r2):
    src = edge_index[0]
    dst = edge_index[1]
    h = _sage_conv(x, src, dst, W_l1, b_l1, W_r1)
    h = jax.nn.relu(h)
    # dropout is identity in eval mode
    h = _sage_conv(h, src, dst, W_l2, b_l2, W_r2)
    return jax.nn.log_softmax(h, axis=1)

if __name__ == "__main__":
    import jax
    _d = setup_inputs()
    print(jax.jit(kernel)(*tuple(_d.values())))

</pallas_src>

<mosaic_0001>
#map = affine_map<(d0, d1) -> (0, 0)>
#map1 = affine_map<(d0, d1) -> (0, 0, 0)>
module attributes {stable_mosaic.version = 14 : i64} {
  func.func @agg_kernel(%arg0: i32, %arg1: i32, %arg2: memref<10112x136xf32, #tpu.memory_space<hbm>>, %arg3: memref<4008x80xi32, #tpu.memory_space<hbm>>, %arg4: memref<4008x80xi32, #tpu.memory_space<hbm>>, %arg5: memref<632x136xf32, #tpu.memory_space<hbm>>, %arg6: memref<2x10112x136xf32, #tpu.memory_space<hbm>>, %arg7: memref<10112x136xf32, #tpu.memory_space<vmem_shared>>, %arg8: memref<126x80xi32, #tpu.memory_space<vmem>>, %arg9: memref<126x80xi32, #tpu.memory_space<vmem>>, %arg10: memref<80x136xf32, #tpu.memory_space<vmem>>, %arg11: memref<80x136xf32, #tpu.memory_space<vmem>>, %arg12: memref<!tpu.dma_semaphore, #tpu.memory_space<semaphore_mem>>, %arg13: memref<!tpu.dma_semaphore, #tpu.memory_space<semaphore_mem>>, %arg14: memref<!tpu.dma_semaphore, #tpu.memory_space<semaphore_mem>>, %arg15: memref<!tpu.dma_semaphore, #tpu.memory_space<semaphore_mem>>) attributes {dimension_semantics = [#tpu.dimension_semantics<core_parallel>, #tpu.dimension_semantics<subcore_parallel>], iteration_bounds = array<i64: 2, 16>, scalar_prefetch = 0 : i64, scratch_operands = 9 : i64, tpu.core_type = #tpu.core_type<sc_vector_subcore>, window_params = [{transform_indices = #map}, {transform_indices = #map}, {transform_indices = #map}, {transform_indices = #map}, {transform_indices = #map1}]} {
    %mul3A = arith.constant 2 : i32
    %mul3A_0 = arith.muli %arg1, %mul3A : i32
    %add3A = arith.addi %mul3A_0, %arg0 : i32
    %mul3A_1 = arith.constant 632 : i32
    %mul3A_2 = arith.muli %arg1, %mul3A_1 : i32
    %mul3A_3 = arith.constant 125 : i32
    %mul3A_4 = arith.muli %mul3A_3, %add3A : i32
    %min3A = arith.constant 0 : i32
    %min3A_5 = arith.minsi %add3A, %min3A : i32
    %add3A_6 = arith.addi %mul3A_4, %min3A_5 : i32
    %dma_start3A = arith.constant 0 : i32
    %dma_start3A_7 = tpu.memref_slice %arg7[%mul3A_2, %dma_start3A] : memref<10112x136xf32, #tpu.memory_space<vmem_shared>> -> memref<632x136xf32, #tpu.memory_space<vmem_shared>>
    tpu.enqueue_dma source(%arg5 : memref<632x136xf32, #tpu.memory_space<hbm>>) target(%dma_start3A_7 : memref<632x136xf32, #tpu.memory_space<vmem_shared>>) target_semaphore(%arg12 : memref<!tpu.dma_semaphore, #tpu.memory_space<semaphore_mem>>)
    %dma_start3A_8 = arith.constant 0 : i32
    %dma_start3A_9 = tpu.memref_slice %arg3[%add3A_6, %dma_start3A_8] : memref<4008x80xi32, #tpu.memory_space<hbm>> -> memref<126x80xi32, #tpu.memory_space<hbm>>
    %dma_start3A_10 = arith.constant 0 : i32
    %dma_start3A_11 = tpu.memref_slice %arg3[%add3A_6, %dma_start3A_10] : memref<4008x80xi32, #tpu.memory_space<hbm>> -> memref<126x80xi32, #tpu.memory_space<hbm>>
    tpu.enqueue_dma source(%dma_start3A_11 : memref<126x80xi32, #tpu.memory_space<hbm>>) target(%arg8 : memref<126x80xi32, #tpu.memory_space<vmem>>) target_semaphore(%arg13 : memref<!tpu.dma_semaphore, #tpu.memory_space<semaphore_mem>>)
    %dma_start3A_12 = arith.constant 0 : i32
    %dma_start3A_13 = tpu.memref_slice %arg4[%add3A_6, %dma_start3A_12] : memref<4008x80xi32, #tpu.memory_space<hbm>> -> memref<126x80xi32, #tpu.memory_space<hbm>>
    %dma_start3A_14 = arith.constant 0 : i32
    %dma_start3A_15 = tpu.memref_slice %arg4[%add3A_6, %dma_start3A_14] : memref<4008x80xi32, #tpu.memory_space<hbm>> -> memref<126x80xi32, #tpu.memory_space<hbm>>
    tpu.enqueue_dma source(%dma_start3A_15 : memref<126x80xi32, #tpu.memory_space<hbm>>) target(%arg9 : memref<126x80xi32, #tpu.memory_space<vmem>>) target_semaphore(%arg14 : memref<!tpu.dma_semaphore, #tpu.memory_space<semaphore_mem>>)
    %dma_wait3A = arith.constant 0 : i32
    %dma_wait3A_16 = tpu.memref_slice %arg7[%mul3A_2, %dma_wait3A] : memref<10112x136xf32, #tpu.memory_space<vmem_shared>> -> memref<632x136xf32, #tpu.memory_space<vmem_shared>>
    tpu.wait_dma2 semaphore(%arg12 : memref<!tpu.dma_semaphore, #tpu.memory_space<semaphore_mem>>) src(%arg5 : memref<632x136xf32, #tpu.memory_space<hbm>>) dst(%dma_wait3A_16 : memref<632x136xf32, #tpu.memory_space<vmem_shared>>)
    %dma_wait3A_17 = arith.constant 0 : i32
    %dma_wait3A_18 = tpu.memref_slice %arg3[%add3A_6, %dma_wait3A_17] : memref<4008x80xi32, #tpu.memory_space<hbm>> -> memref<126x80xi32, #tpu.memory_space<hbm>>
    %dma_wait3A_19 = arith.constant 0 : i32
    %dma_wait3A_20 = tpu.memref_slice %arg3[%add3A_6, %dma_wait3A_19] : memref<4008x80xi32, #tpu.memory_space<hbm>> -> memref<126x80xi32, #tpu.memory_space<hbm>>
    tpu.wait_dma2 semaphore(%arg13 : memref<!tpu.dma_semaphore, #tpu.memory_space<semaphore_mem>>) src(%dma_wait3A_20 : memref<126x80xi32, #tpu.memory_space<hbm>>) dst(%arg8 : memref<126x80xi32, #tpu.memory_space<vmem>>)
    %dma_wait3A_21 = arith.constant 0 : i32
    %dma_wait3A_22 = tpu.memref_slice %arg4[%add3A_6, %dma_wait3A_21] : memref<4008x80xi32, #tpu.memory_space<hbm>> -> memref<126x80xi32, #tpu.memory_space<hbm>>
    %dma_wait3A_23 = arith.constant 0 : i32
    %dma_wait3A_24 = tpu.memref_slice %arg4[%add3A_6, %dma_wait3A_23] : memref<4008x80xi32, #tpu.memory_space<hbm>> -> memref<126x80xi32, #tpu.memory_space<hbm>>
    tpu.wait_dma2 semaphore(%arg14 : memref<!tpu.dma_semaphore, #tpu.memory_space<semaphore_mem>>) src(%dma_wait3A_24 : memref<126x80xi32, #tpu.memory_space<hbm>>) dst(%arg9 : memref<126x80xi32, #tpu.memory_space<vmem>>)
    %lt3A = arith.constant 0 : i32
    %lt3A_25 = arith.cmpi slt, %add3A, %lt3A : i32
    %barrier3A = arith.constant 0 : index
    tpu.barrier barrier_id(%barrier3A)
    %dma_start3A_26 = arith.constant 0 : i32
    %dma_start3A_27 = arith.constant 0 : i32
    %dma_start3A_28 = tpu.memref_slice %arg8[%dma_start3A_26, %dma_start3A_27] : memref<126x80xi32, #tpu.memory_space<vmem>> -> memref<1x80xi32, #tpu.memory_space<vmem>>
    %dma_start3A_29 = tpu.memref_squeeze %dma_start3A_28 : memref<1x80xi32, #tpu.memory_space<vmem>> -> memref<80xi32, #tpu.memory_space<vmem>>
    %dma_start3A_30 = arith.constant 0 : i32
    %dma_start3A_31 = arith.constant 0 : i32
    %dma_start3A_32 = tpu.memref_slice %arg2[%dma_start3A_30, %dma_start3A_31] : memref<10112x136xf32, #tpu.memory_space<hbm>> -> memref<10112x136xf32, #tpu.memory_space<hbm>>
    tpu.enqueue_indirect_dma source(%dma_start3A_32 : memref<10112x136xf32, #tpu.memory_space<hbm>>) target(%arg10 : memref<80x136xf32, #tpu.memory_space<vmem>>) offsets(%dma_start3A_29 : memref<80xi32, #tpu.memory_space<vmem>>) semaphore(%arg12 : memref<!tpu.dma_semaphore, #tpu.memory_space<semaphore_mem>>)
    %dma_wait3A_33 = arith.constant 0 : i32
    %dma_wait3A_34 = arith.constant 0 : i32
    %dma_wait3A_35 = tpu.memref_slice %arg8[%dma_wait3A_33, %dma_wait3A_34] : memref<126x80xi32, #tpu.memory_space<vmem>> -> memref<1x80xi32, #tpu.memory_space<vmem>>
    %dma_wait3A_36 = tpu.memref_squeeze %dma_wait3A_35 : memref<1x80xi32, #tpu.memory_space<vmem>> -> memref<80xi32, #tpu.memory_space<vmem>>
    %dma_wait3A_37 = arith.constant 0 : i32
    %dma_wait3A_38 = arith.constant 0 : i32
    %dma_wait3A_39 = tpu.memref_slice %arg2[%dma_wait3A_37, %dma_wait3A_38] : memref<10112x136xf32, #tpu.memory_space<hbm>> -> memref<10112x136xf32, #tpu.memory_space<hbm>>
    tpu.wait_indirect_dma semaphore(%arg12 : memref<!tpu.dma_semaphore, #tpu.memory_space<semaphore_mem>>) src(%dma_wait3A_39 : memref<10112x136xf32, #tpu.memory_space<hbm>>) dst(%arg10 : memref<80x136xf32, #tpu.memory_space<vmem>>)
    %dma_start3A_40 = arith.constant 1 : i32
    %dma_start3A_41 = arith.constant 0 : i32
    %dma_start3A_42 = tpu.memref_slice %arg8[%dma_start3A_40, %dma_start3A_41] : memref<126x80xi32, #tpu.memory_space<vmem>> -> memref<1x80xi32, #tpu.memory_space<vmem>>
    %dma_start3A_43 = tpu.memref_squeeze %dma_start3A_42 : memref<1x80xi32, #tpu.memory_space<vmem>> -> memref<80xi32, #tpu.memory_space<vmem>>
    %dma_start3A_44 = arith.constant 0 : i32
    %dma_start3A_45 = arith.constant 0 : i32
    %dma_start3A_46 = tpu.memref_slice %arg2[%dma_start3A_44, %dma_start3A_45] : memref<10112x136xf32, #tpu.memory_space<hbm>> -> memref<10112x136xf32, #tpu.memory_space<hbm>>
    tpu.enqueue_indirect_dma source(%dma_start3A_46 : memref<10112x136xf32, #tpu.memory_space<hbm>>) target(%arg11 : memref<80x136xf32, #tpu.memory_space<vmem>>) offsets(%dma_start3A_43 : memref<80xi32, #tpu.memory_space<vmem>>) semaphore(%arg13 : memref<!tpu.dma_semaphore, #tpu.memory_space<semaphore_mem>>)
    %dma_start3A_47 = arith.constant 0 : i32
    %dma_start3A_48 = arith.constant 0 : i32
    %dma_start3A_49 = tpu.memref_slice %arg9[%dma_start3A_47, %dma_start3A_48] : memref<126x80xi32, #tpu.memory_space<vmem>> -> memref<1x80xi32, #tpu.memory_space<vmem>>
    %dma_start3A_50 = tpu.memref_squeeze %dma_start3A_49 : memref<1x80xi32, #tpu.memory_space<vmem>> -> memref<80xi32, #tpu.memory_space<vmem>>
    %dma_start3A_51 = arith.constant 0 : i32
    %dma_start3A_52 = arith.constant 0 : i32
    %dma_start3A_53 = tpu.memref_slice %arg7[%dma_start3A_51, %dma_start3A_52] : memref<10112x136xf32, #tpu.memory_space<vmem_shared>> -> memref<10112x136xf32, #tpu.memory_space<vmem_shared>>
    tpu.enqueue_indirect_dma source(%arg10 : memref<80x136xf32, #tpu.memory_space<vmem>>) target(%dma_start3A_53 : memref<10112x136xf32, #tpu.memory_space<vmem_shared>>) offsets(%dma_start3A_50 : memref<80xi32, #tpu.memory_space<vmem>>) semaphore(%arg14 : memref<!tpu.dma_semaphore, #tpu.memory_space<semaphore_mem>>) {add = true}
    %dma_wait3A_54 = arith.constant 1 : i32
    %dma_wait3A_55 = arith.constant 0 : i32
    %dma_wait3A_56 = tpu.memref_slice %arg8[%dma_wait3A_54, %dma_wait3A_55] : memref<126x80xi32, #tpu.memory_space<vmem>> -> memref<1x80xi32, #tpu.memory_space<vmem>>
    %dma_wait3A_57 = tpu.memref_squeeze %dma_wait3A_56 : memref<1x80xi32, #tpu.memory_space<vmem>> -> memref<80xi32, #tpu.memory_space<vmem>>
    %dma_wait3A_58 = arith.constant 0 : i32
    %dma_wait3A_59 = arith.constant 0 : i32
    %dma_wait3A_60 = tpu.memref_slice %arg2[%dma_wait3A_58, %dma_wait3A_59] : memref<10112x136xf32, #tpu.memory_space<hbm>> -> memref<10112x136xf32, #tpu.memory_space<hbm>>
    tpu.wait_indirect_dma semaphore(%arg13 : memref<!tpu.dma_semaphore, #tpu.memory_space<semaphore_mem>>) src(%dma_wait3A_60 : memref<10112x136xf32, #tpu.memory_space<hbm>>) dst(%arg11 : memref<80x136xf32, #tpu.memory_space<vmem>>)
    %dma_wait3A_61 = arith.constant 0 : i32
    %dma_wait3A_62 = arith.constant 0 : i32
    %dma_wait3A_63 = tpu.memref_slice %arg9[%dma_wait3A_61, %dma_wait3A_62] : memref<126x80xi32, #tpu.memory_space<vmem>> -> memref<1x80xi32, #tpu.memory_space<vmem>>
    %dma_wait3A_64 = tpu.memref_squeeze %dma_wait3A_63 : memref<1x80xi32, #tpu.memory_space<vmem>> -> memref<80xi32, #tpu.memory_space<vmem>>
    %dma_wait3A_65 = arith.constant 0 : i32
    %dma_wait3A_66 = arith.constant 0 : i32
    %dma_wait3A_67 = tpu.memref_slice %arg7[%dma_wait3A_65, %dma_wait3A_66] : memref<10112x136xf32, #tpu.memory_space<vmem_shared>> -> memref<10112x136xf32, #tpu.memory_space<vmem_shared>>
    tpu.wait_indirect_dma semaphore(%arg14 : memref<!tpu.dma_semaphore, #tpu.memory_space<semaphore_mem>>) src(%arg10 : memref<80x136xf32, #tpu.memory_space<vmem>>) dst(%dma_wait3A_67 : memref<10112x136xf32, #tpu.memory_space<vmem_shared>>)
    %dma_start3A_68 = arith.constant 2 : i32
    %dma_start3A_69 = arith.constant 0 : i32
    %dma_start3A_70 = tpu.memref_slice %arg8[%dma_start3A_68, %dma_start3A_69] : memref<126x80xi32, #tpu.memory_space<vmem>> -> memref<1x80xi32, #tpu.memory_space<vmem>>
    %dma_start3A_71 = tpu.memref_squeeze %dma_start3A_70 : memref<1x80xi32, #tpu.memory_space<vmem>> -> memref<80xi32, #tpu.memory_space<vmem>>
    %dma_start3A_72 = arith.constant 0 : i32
    %dma_start3A_73 = arith.constant 0 : i32
    %dma_start3A_74 = tpu.memref_slice %arg2[%dma_start3A_72, %dma_start3A_73] : memref<10112x136xf32, #tpu.memory_space<hbm>> -> memref<10112x136xf32, #tpu.memory_space<hbm>>
    tpu.enqueue_indirect_dma source(%dma_start3A_74 : memref<10112x136xf32, #tpu.memory_space<hbm>>) target(%arg10 : memref<80x136xf32, #tpu.memory_space<vmem>>) offsets(%dma_start3A_71 : memref<80xi32, #tpu.memory_space<vmem>>) semaphore(%arg12 : memref<!tpu.dma_semaphore, #tpu.memory_space<semaphore_mem>>)
    %dma_start3A_75 = arith.constant 1 : i32
    %dma_start3A_76 = arith.constant 0 : i32
    %dma_start3A_77 = tpu.memref_slice %arg9[%dma_start3A_75, %dma_start3A_76] : memref<126x80xi32, #tpu.memory_space<vmem>> -> memref<1x80xi32, #tpu.memory_space<vmem>>
    %dma_start3A_78 = tpu.memref_squeeze %dma_start3A_77 : memref<1x80xi32, #tpu.memory_space<vmem>> -> memref<80xi32, #tpu.memory_space<vmem>>
    %dma_start3A_79 = arith.constant 0 : i32
    %dma_start3A_80 = arith.constant 0 : i32
    %dma_start3A_81 = tpu.memref_slice %arg7[%dma_start3A_79, %dma_start3A_80] : memref<10112x136xf32, #tpu.memory_space<vmem_shared>> -> memref<10112x136xf32, #tpu.memory_space<vmem_shared>>
    tpu.enqueue_indirect_dma source(%arg11 : memref<80x136xf32, #tpu.memory_space<vmem>>) target(%dma_start3A_81 : memref<10112x136xf32, #tpu.memory_space<vmem_shared>>) offsets(%dma_start3A_78 : memref<80xi32, #tpu.memory_space<vmem>>) semaphore(%arg15 : memref<!tpu.dma_semaphore, #tpu.memory_space<semaphore_mem>>) {add = true}
    %scan3A = arith.constant 0 : i32
    %scan3A_82 = arith.constant 61 : i32
    %scan3A_83 = arith.addi %scan3A, %scan3A_82 : i32
    %scan3A_84 = arith.constant 1 : i32
    scf.for %scan3A_122 = %scan3A to %scan3A_83 step %scan3A_84  : i32 {
      %mul3A_123 = arith.constant 1 : i32
      %mul3A_124 = arith.muli %scan3A_122, %mul3A_123 : i32
      %add3A_125 = arith.constant 0 : i32
      %add3A_126 = arith.addi %add3A_125, %mul3A_124 : i32
      %mul3A_127 = arith.constant 2 : i32
      %mul3A_128 = arith.muli %mul3A_127, %add3A_126 : i32
      %add3A_129 = arith.constant 2 : i32
      %add3A_130 = arith.addi %mul3A_128, %add3A_129 : i32
      %add3A_131 = arith.constant 0 : i32
      %add3A_132 = arith.addi %add3A_130, %add3A_131 : i32
      %dma_wait3A_133 = arith.constant 0 : i32
      %dma_wait3A_134 = tpu.memref_slice %arg8[%add3A_132, %dma_wait3A_133] : memref<126x80xi32, #tpu.memory_space<vmem>> -> memref<1x80xi32, #tpu.memory_space<vmem>>
      %dma_wait3A_135 = tpu.memref_squeeze %dma_wait3A_134 : memref<1x80xi32, #tpu.memory_space<vmem>> -> memref<80xi32, #tpu.memory_space<vmem>>
      %dma_wait3A_136 = arith.constant 0 : i32
      %dma_wait3A_137 = arith.constant 0 : i32
      %dma_wait3A_138 = tpu.memref_slice %arg2[%dma_wait3A_136, %dma_wait3A_137] : memref<10112x136xf32, #tpu.memory_space<hbm>> -> memref<10112x136xf32, #tpu.memory_space<hbm>>
      tpu.wait_indirect_dma semaphore(%arg12 : memref<!tpu.dma_semaphore, #tpu.memory_space<semaphore_mem>>) src(%dma_wait3A_138 : memref<10112x136xf32, #tpu.memory_space<hbm>>) dst(%arg10 : memref<80x136xf32, #tpu.memory_space<vmem>>)
      %sub3A = arith.constant 1 : i32
      %sub3A_139 = arith.subi %add3A_132, %sub3A : i32
      %dma_wait3A_140 = arith.constant 0 : i32
      %dma_wait3A_141 = tpu.memref_slice %arg9[%sub3A_139, %dma_wait3A_140] : memref<126x80xi32, #tpu.memory_space<vmem>> -> memref<1x80xi32, #tpu.memory_space<vmem>>
      %dma_wait3A_142 = tpu.memref_squeeze %dma_wait3A_141 : memref<1x80xi32, #tpu.memory_space<vmem>> -> memref<80xi32, #tpu.memory_space<vmem>>
      %dma_wait3A_143 = arith.constant 0 : i32
      %dma_wait3A_144 = arith.constant 0 : i32
      %dma_wait3A_145 = tpu.memref_slice %arg7[%dma_wait3A_143, %dma_wait3A_144] : memref<10112x136xf32, #tpu.memory_space<vmem_shared>> -> memref<10112x136xf32, #tpu.memory_space<vmem_shared>>
      tpu.wait_indirect_dma semaphore(%arg15 : memref<!tpu.dma_semaphore, #tpu.memory_space<semaphore_mem>>) src(%arg11 : memref<80x136xf32, #tpu.memory_space<vmem>>) dst(%dma_wait3A_145 : memref<10112x136xf32, #tpu.memory_space<vmem_shared>>)
      %add3A_146 = arith.constant 1 : i32
      %add3A_147 = arith.addi %add3A_132, %add3A_146 : i32
      %dma_start3A_148 = arith.constant 0 : i32
      %dma_start3A_149 = tpu.memref_slice %arg8[%add3A_147, %dma_start3A_148] : memref<126x80xi32, #tpu.memory_space<vmem>> -> memref<1x80xi32, #tpu.memory_space<vmem>>
      %dma_start3A_150 = tpu.memref_squeeze %dma_start3A_149 : memref<1x80xi32, #tpu.memory_space<vmem>> -> memref<80xi32, #tpu.memory_space<vmem>>
      %dma_start3A_151 = arith.constant 0 : i32
      %dma_start3A_152 = arith.constant 0 : i32
      %dma_start3A_153 = tpu.memref_slice %arg2[%dma_start3A_151, %dma_start3A_152] : memref<10112x136xf32, #tpu.memory_space<hbm>> -> memref<10112x136xf32, #tpu.memory_space<hbm>>
      tpu.enqueue_indirect_dma source(%dma_start3A_153 : memref<10112x136xf32, #tpu.memory_space<hbm>>) target(%arg11 : memref<80x136xf32, #tpu.memory_space<vmem>>) offsets(%dma_start3A_150 : memref<80xi32, #tpu.memory_space<vmem>>) semaphore(%arg13 : memref<!tpu.dma_semaphore, #tpu.memory_space<semaphore_mem>>)
      %dma_start3A_154 = arith.constant 0 : i32
      %dma_start3A_155 = tpu.memref_slice %arg9[%add3A_132, %dma_start3A_154] : memref<126x80xi32, #tpu.memory_space<vmem>> -> memref<1x80xi32, #tpu.memory_space<vmem>>
      %dma_start3A_156 = tpu.memref_squeeze %dma_start3A_155 : memref<1x80xi32, #tpu.memory_space<vmem>> -> memref<80xi32, #tpu.memory_space<vmem>>
      %dma_start3A_157 = arith.constant 0 : i32
      %dma_start3A_158 = arith.constant 0 : i32
      %dma_start3A_159 = tpu.memref_slice %arg7[%dma_start3A_157, %dma_start3A_158] : memref<10112x136xf32, #tpu.memory_space<vmem_shared>> -> memref<10112x136xf32, #tpu.memory_space<vmem_shared>>
      tpu.enqueue_indirect_dma source(%arg10 : memref<80x136xf32, #tpu.memory_space<vmem>>) target(%dma_start3A_159 : memref<10112x136xf32, #tpu.memory_space<vmem_shared>>) offsets(%dma_start3A_156 : memref<80xi32, #tpu.memory_space<vmem>>) semaphore(%arg14 : memref<!tpu.dma_semaphore, #tpu.memory_space<semaphore_mem>>) {add = true}
      %mul3A_160 = arith.constant 2 : i32
      %mul3A_161 = arith.muli %mul3A_160, %add3A_126 : i32
      %add3A_162 = arith.constant 2 : i32
      %add3A_163 = arith.addi %mul3A_161, %add3A_162 : i32
      %add3A_164 = arith.constant 1 : i32
      %add3A_165 = arith.addi %add3A_163, %add3A_164 : i32
      %dma_wait3A_166 = arith.constant 0 : i32
      %dma_wait3A_167 = tpu.memref_slice %arg8[%add3A_165, %dma_wait3A_166] : memref<126x80xi32, #tpu.memory_space<vmem>> -> memref<1x80xi32, #tpu.memory_space<vmem>>
      %dma_wait3A_168 = tpu.memref_squeeze %dma_wait3A_167 : memref<1x80xi32, #tpu.memory_space<vmem>> -> memref<80xi32, #tpu.memory_space<vmem>>
      %dma_wait3A_169 = arith.constant 0 : i32
      %dma_wait3A_170 = arith.constant 0 : i32
      %dma_wait3A_171 = tpu.memref_slice %arg2[%dma_wait3A_169, %dma_wait3A_170] : memref<10112x136xf32, #tpu.memory_space<hbm>> -> memref<10112x136xf32, #tpu.memory_space<hbm>>
      tpu.wait_indirect_dma semaphore(%arg13 : memref<!tpu.dma_semaphore, #tpu.memory_space<semaphore_mem>>) src(%dma_wait3A_171 : memref<10112x136xf32, #tpu.memory_space<hbm>>) dst(%arg11 : memref<80x136xf32, #tpu.memory_space<vmem>>)
      %sub3A_172 = arith.constant 1 : i32
      %sub3A_173 = arith.subi %add3A_165, %sub3A_172 : i32
      %dma_wait3A_174 = arith.constant 0 : i32
      %dma_wait3A_175 = tpu.memref_slice %arg9[%sub3A_173, %dma_wait3A_174] : memref<126x80xi32, #tpu.memory_space<vmem>> -> memref<1x80xi32, #tpu.memory_space<vmem>>
      %dma_wait3A_176 = tpu.memref_squeeze %dma_wait3A_175 : memref<1x80xi32, #tpu.memory_space<vmem>> -> memref<80xi32, #tpu.memory_space<vmem>>
      %dma_wait3A_177 = arith.constant 0 : i32
      %dma_wait3A_178 = arith.constant 0 : i32
      %dma_wait3A_179 = tpu.memref_slice %arg7[%dma_wait3A_177, %dma_wait3A_178] : memref<10112x136xf32, #tpu.memory_space<vmem_shared>> -> memref<10112x136xf32, #tpu.memory_space<vmem_shared>>
      tpu.wait_indirect_dma semaphore(%arg14 : memref<!tpu.dma_semaphore, #tpu.memory_space<semaphore_mem>>) src(%arg10 : memref<80x136xf32, #tpu.memory_space<vmem>>) dst(%dma_wait3A_179 : memref<10112x136xf32, #tpu.memory_space<vmem_shared>>)
      %add3A_180 = arith.constant 1 : i32
      %add3A_181 = arith.addi %add3A_165, %add3A_180 : i32
      %dma_start3A_182 = arith.constant 0 : i32
      %dma_start3A_183 = tpu.memref_slice %arg8[%add3A_181, %dma_start3A_182] : memref<126x80xi32, #tpu.memory_space<vmem>> -> memref<1x80xi32, #tpu.memory_space<vmem>>
      %dma_start3A_184 = tpu.memref_squeeze %dma_start3A_183 : memref<1x80xi32, #tpu.memory_space<vmem>> -> memref<80xi32, #tpu.memory_space<vmem>>
      %dma_start3A_185 = arith.constant 0 : i32
      %dma_start3A_186 = arith.constant 0 : i32
      %dma_start3A_187 = tpu.memref_slice %arg2[%dma_start3A_185, %dma_start3A_186] : memref<10112x136xf32, #tpu.memory_space<hbm>> -> memref<10112x136xf32, #tpu.memory_space<hbm>>
      tpu.enqueue_indirect_dma source(%dma_start3A_187 : memref<10112x136xf32, #tpu.memory_space<hbm>>) target(%arg10 : memref<80x136xf32, #tpu.memory_space<vmem>>) offsets(%dma_start3A_184 : memref<80xi32, #tpu.memory_space<vmem>>) semaphore(%arg12 : memref<!tpu.dma_semaphore, #tpu.memory_space<semaphore_mem>>)
      %dma_start3A_188 = arith.constant 0 : i32
      %dma_start3A_189 = tpu.memref_slice %arg9[%add3A_165, %dma_start3A_188] : memref<126x80xi32, #tpu.memory_space<vmem>> -> memref<1x80xi32, #tpu.memory_space<vmem>>
      %dma_start3A_190 = tpu.memref_squeeze %dma_start3A_189 : memref<1x80xi32, #tpu.memory_space<vmem>> -> memref<80xi32, #tpu.memory_space<vmem>>
      %dma_start3A_191 = arith.constant 0 : i32
      %dma_start3A_192 = arith.constant 0 : i32
      %dma_start3A_193 = tpu.memref_slice %arg7[%dma_start3A_191, %dma_start3A_192] : memref<10112x136xf32, #tpu.memory_space<vmem_shared>> -> memref<10112x136xf32, #tpu.memory_space<vmem_shared>>
      tpu.enqueue_indirect_dma source(%arg11 : memref<80x136xf32, #tpu.memory_space<vmem>>) target(%dma_start3A_193 : memref<10112x136xf32, #tpu.memory_space<vmem_shared>>) offsets(%dma_start3A_190 : memref<80xi32, #tpu.memory_space<vmem>>) semaphore(%arg15 : memref<!tpu.dma_semaphore, #tpu.memory_space<semaphore_mem>>) {add = true}
    }
    %scan3A_85 = arith.constant 61 : i32
    %dma_wait3A_86 = arith.constant 124 : i32
    %dma_wait3A_87 = arith.constant 0 : i32
    %dma_wait3A_88 = tpu.memref_slice %arg8[%dma_wait3A_86, %dma_wait3A_87] : memref<126x80xi32, #tpu.memory_space<vmem>> -> memref<1x80xi32, #tpu.memory_space<vmem>>
    %dma_wait3A_89 = tpu.memref_squeeze %dma_wait3A_88 : memref<1x80xi32, #tpu.memory_space<vmem>> -> memref<80xi32, #tpu.memory_space<vmem>>
    %dma_wait3A_90 = arith.constant 0 : i32
    %dma_wait3A_91 = arith.constant 0 : i32
    %dma_wait3A_92 = tpu.memref_slice %arg2[%dma_wait3A_90, %dma_wait3A_91] : memref<10112x136xf32, #tpu.memory_space<hbm>> -> memref<10112x136xf32, #tpu.memory_space<hbm>>
    tpu.wait_indirect_dma semaphore(%arg12 : memref<!tpu.dma_semaphore, #tpu.memory_space<semaphore_mem>>) src(%dma_wait3A_92 : memref<10112x136xf32, #tpu.memory_space<hbm>>) dst(%arg10 : memref<80x136xf32, #tpu.memory_space<vmem>>)
    %dma_wait3A_93 = arith.constant 123 : i32
    %dma_wait3A_94 = arith.constant 0 : i32
    %dma_wait3A_95 = tpu.memref_slice %arg9[%dma_wait3A_93, %dma_wait3A_94] : memref<126x80xi32, #tpu.memory_space<vmem>> -> memref<1x80xi32, #tpu.memory_space<vmem>>
    %dma_wait3A_96 = tpu.memref_squeeze %dma_wait3A_95 : memref<1x80xi32, #tpu.memory_space<vmem>> -> memref<80xi32, #tpu.memory_space<vmem>>
    %dma_wait3A_97 = arith.constant 0 : i32
    %dma_wait3A_98 = arith.constant 0 : i32
    %dma_wait3A_99 = tpu.memref_slice %arg7[%dma_wait3A_97, %dma_wait3A_98] : memref<10112x136xf32, #tpu.memory_space<vmem_shared>> -> memref<10112x136xf32, #tpu.memory_space<vmem_shared>>
    tpu.wait_indirect_dma semaphore(%arg15 : memref<!tpu.dma_semaphore, #tpu.memory_space<semaphore_mem>>) src(%arg11 : memref<80x136xf32, #tpu.memory_space<vmem>>) dst(%dma_wait3A_99 : memref<10112x136xf32, #tpu.memory_space<vmem_shared>>)
    %convert_element_type3A = arith.extui %lt3A_25 : i1 to i32
    %cond3A = arith.constant 0 : i32
    %cond3A_100 = arith.cmpi ne, %convert_element_type3A, %cond3A : i32
    scf.if %cond3A_100 {
      %dma_start3A_122 = arith.constant 125 : i32
      %dma_start3A_123 = arith.constant 0 : i32
      %dma_start3A_124 = tpu.memref_slice %arg8[%dma_start3A_122, %dma_start3A_123] : memref<126x80xi32, #tpu.memory_space<vmem>> -> memref<1x80xi32, #tpu.memory_space<vmem>>
      %dma_start3A_125 = tpu.memref_squeeze %dma_start3A_124 : memref<1x80xi32, #tpu.memory_space<vmem>> -> memref<80xi32, #tpu.memory_space<vmem>>
      %dma_start3A_126 = arith.constant 0 : i32
      %dma_start3A_127 = arith.constant 0 : i32
      %dma_start3A_128 = tpu.memref_slice %arg2[%dma_start3A_126, %dma_start3A_127] : memref<10112x136xf32, #tpu.memory_space<hbm>> -> memref<10112x136xf32, #tpu.memory_space<hbm>>
      tpu.enqueue_indirect_dma source(%dma_start3A_128 : memref<10112x136xf32, #tpu.memory_space<hbm>>) target(%arg11 : memref<80x136xf32, #tpu.memory_space<vmem>>) offsets(%dma_start3A_125 : memref<80xi32, #tpu.memory_space<vmem>>) semaphore(%arg13 : memref<!tpu.dma_semaphore, #tpu.memory_space<semaphore_mem>>)
    } else {
    }
    %dma_start3A_101 = arith.constant 124 : i32
    %dma_start3A_102 = arith.constant 0 : i32
    %dma_start3A_103 = tpu.memref_slice %arg9[%dma_start3A_101, %dma_start3A_102] : memref<126x80xi32, #tpu.memory_space<vmem>> -> memref<1x80xi32, #tpu.memory_space<vmem>>
    %dma_start3A_104 = tpu.memref_squeeze %dma_start3A_103 : memref<1x80xi32, #tpu.memory_space<vmem>> -> memref<80xi32, #tpu.memory_space<vmem>>
    %dma_start3A_105 = arith.constant 0 : i32
    %dma_start3A_106 = arith.constant 0 : i32
    %dma_start3A_107 = tpu.memref_slice %arg7[%dma_start3A_105, %dma_start3A_106] : memref<10112x136xf32, #tpu.memory_space<vmem_shared>> -> memref<10112x136xf32, #tpu.memory_space<vmem_shared>>
    tpu.enqueue_indirect_dma source(%arg10 : memref<80x136xf32, #tpu.memory_space<vmem>>) target(%dma_start3A_107 : memref<10112x136xf32, #tpu.memory_space<vmem_shared>>) offsets(%dma_start3A_104 : memref<80xi32, #tpu.memory_space<vmem>>) semaphore(%arg14 : memref<!tpu.dma_semaphore, #tpu.memory_space<semaphore_mem>>) {add = true}
    %convert_element_type3A_108 = arith.extui %lt3A_25 : i1 to i32
    %cond3A_109 = arith.constant 0 : i32
    %cond3A_110 = arith.cmpi ne, %convert_element_type3A_108, %cond3A_109 : i32
    scf.if %cond3A_110 {
      %dma_wait3A_122 = arith.constant 125 : i32
      %dma_wait3A_123 = arith.constant 0 : i32
      %dma_wait3A_124 = tpu.memref_slice %arg8[%dma_wait3A_122, %dma_wait3A_123] : memref<126x80xi32, #tpu.memory_space<vmem>> -> memref<1x80xi32, #tpu.memory_space<vmem>>
      %dma_wait3A_125 = tpu.memref_squeeze %dma_wait3A_124 : memref<1x80xi32, #tpu.memory_space<vmem>> -> memref<80xi32, #tpu.memory_space<vmem>>
      %dma_wait3A_126 = arith.constant 0 : i32
      %dma_wait3A_127 = arith.constant 0 : i32
      %dma_wait3A_128 = tpu.memref_slice %arg2[%dma_wait3A_126, %dma_wait3A_127] : memref<10112x136xf32, #tpu.memory_space<hbm>> -> memref<10112x136xf32, #tpu.memory_space<hbm>>
      tpu.wait_indirect_dma semaphore(%arg13 : memref<!tpu.dma_semaphore, #tpu.memory_space<semaphore_mem>>) src(%dma_wait3A_128 : memref<10112x136xf32, #tpu.memory_space<hbm>>) dst(%arg11 : memref<80x136xf32, #tpu.memory_space<vmem>>)
      %dma_start3A_129 = arith.constant 125 : i32
      %dma_start3A_130 = arith.constant 0 : i32
      %dma_start3A_131 = tpu.memref_slice %arg9[%dma_start3A_129, %dma_start3A_130] : memref<126x80xi32, #tpu.memory_space<vmem>> -> memref<1x80xi32, #tpu.memory_space<vmem>>
      %dma_start3A_132 = tpu.memref_squeeze %dma_start3A_131 : memref<1x80xi32, #tpu.memory_space<vmem>> -> memref<80xi32, #tpu.memory_space<vmem>>
      %dma_start3A_133 = arith.constant 0 : i32
      %dma_start3A_134 = arith.constant 0 : i32
      %dma_start3A_135 = tpu.memref_slice %arg7[%dma_start3A_133, %dma_start3A_134] : memref<10112x136xf32, #tpu.memory_space<vmem_shared>> -> memref<10112x136xf32, #tpu.memory_space<vmem_shared>>
      tpu.enqueue_indirect_dma source(%arg11 : memref<80x136xf32, #tpu.memory_space<vmem>>) target(%dma_start3A_135 : memref<10112x136xf32, #tpu.memory_space<vmem_shared>>) offsets(%dma_start3A_132 : memref<80xi32, #tpu.memory_space<vmem>>) semaphore(%arg15 : memref<!tpu.dma_semaphore, #tpu.memory_space<semaphore_mem>>) {add = true}
    } else {
    }
    %dma_wait3A_111 = arith.constant 124 : i32
    %dma_wait3A_112 = arith.constant 0 : i32
    %dma_wait3A_113 = tpu.memref_slice %arg9[%dma_wait3A_111, %dma_wait3A_112] : memref<126x80xi32, #tpu.memory_space<vmem>> -> memref<1x80xi32, #tpu.memory_space<vmem>>
    %dma_wait3A_114 = tpu.memref_squeeze %dma_wait3A_113 : memref<1x80xi32, #tpu.memory_space<vmem>> -> memref<80xi32, #tpu.memory_space<vmem>>
    %dma_wait3A_115 = arith.constant 0 : i32
    %dma_wait3A_116 = arith.constant 0 : i32
    %dma_wait3A_117 = tpu.memref_slice %arg7[%dma_wait3A_115, %dma_wait3A_116] : memref<10112x136xf32, #tpu.memory_space<vmem_shared>> -> memref<10112x136xf32, #tpu.memory_space<vmem_shared>>
    tpu.wait_indirect_dma semaphore(%arg14 : memref<!tpu.dma_semaphore, #tpu.memory_space<semaphore_mem>>) src(%arg10 : memref<80x136xf32, #tpu.memory_space<vmem>>) dst(%dma_wait3A_117 : memref<10112x136xf32, #tpu.memory_space<vmem_shared>>)
    %convert_element_type3A_118 = arith.extui %lt3A_25 : i1 to i32
    %cond3A_119 = arith.constant 0 : i32
    %cond3A_120 = arith.cmpi ne, %convert_element_type3A_118, %cond3A_119 : i32
    scf.if %cond3A_120 {
      %dma_wait3A_122 = arith.constant 125 : i32
      %dma_wait3A_123 = arith.constant 0 : i32
      %dma_wait3A_124 = tpu.memref_slice %arg9[%dma_wait3A_122, %dma_wait3A_123] : memref<126x80xi32, #tpu.memory_space<vmem>> -> memref<1x80xi32, #tpu.memory_space<vmem>>
      %dma_wait3A_125 = tpu.memref_squeeze %dma_wait3A_124 : memref<1x80xi32, #tpu.memory_space<vmem>> -> memref<80xi32, #tpu.memory_space<vmem>>
      %dma_wait3A_126 = arith.constant 0 : i32
      %dma_wait3A_127 = arith.constant 0 : i32
      %dma_wait3A_128 = tpu.memref_slice %arg7[%dma_wait3A_126, %dma_wait3A_127] : memref<10112x136xf32, #tpu.memory_space<vmem_shared>> -> memref<10112x136xf32, #tpu.memory_space<vmem_shared>>
      tpu.wait_indirect_dma semaphore(%arg15 : memref<!tpu.dma_semaphore, #tpu.memory_space<semaphore_mem>>) src(%arg11 : memref<80x136xf32, #tpu.memory_space<vmem>>) dst(%dma_wait3A_128 : memref<10112x136xf32, #tpu.memory_space<vmem_shared>>)
    } else {
    }
    %barrier3A_121 = arith.constant 0 : index
    tpu.barrier barrier_id(%barrier3A_121)
    "tpu.region"() ({
      %run_scoped3A = tpu.sem_alloc : memref<!tpu.dma_semaphore, #tpu.memory_space<semaphore_mem>>
      %dma_start3A_122 = arith.constant 0 : i32
      %dma_start3A_123 = tpu.memref_slice %arg6[%arg0, %mul3A_2, %dma_start3A_122] : memref<2x10112x136xf32, #tpu.memory_space<hbm>> -> memref<1x632x136xf32, #tpu.memory_space<hbm>>
      %dma_start3A_124 = tpu.memref_squeeze %dma_start3A_123 : memref<1x632x136xf32, #tpu.memory_space<hbm>> -> memref<632x136xf32, #tpu.memory_space<hbm>>
      %dma_start3A_125 = arith.constant 0 : i32
      %dma_start3A_126 = tpu.memref_slice %arg7[%mul3A_2, %dma_start3A_125] : memref<10112x136xf32, #tpu.memory_space<vmem_shared>> -> memref<632x136xf32, #tpu.memory_space<vmem_shared>>
      tpu.enqueue_dma source(%dma_start3A_126 : memref<632x136xf32, #tpu.memory_space<vmem_shared>>) target(%dma_start3A_124 : memref<632x136xf32, #tpu.memory_space<hbm>>) target_semaphore(%run_scoped3A : memref<!tpu.dma_semaphore, #tpu.memory_space<semaphore_mem>>)
      %dma_wait3A_127 = arith.constant 0 : i32
      %dma_wait3A_128 = tpu.memref_slice %arg6[%arg0, %mul3A_2, %dma_wait3A_127] : memref<2x10112x136xf32, #tpu.memory_space<hbm>> -> memref<1x632x136xf32, #tpu.memory_space<hbm>>
      %dma_wait3A_129 = tpu.memref_squeeze %dma_wait3A_128 : memref<1x632x136xf32, #tpu.memory_space<hbm>> -> memref<632x136xf32, #tpu.memory_space<hbm>>
      %dma_wait3A_130 = arith.constant 0 : i32
      %dma_wait3A_131 = tpu.memref_slice %arg7[%mul3A_2, %dma_wait3A_130] : memref<10112x136xf32, #tpu.memory_space<vmem_shared>> -> memref<632x136xf32, #tpu.memory_space<vmem_shared>>
      tpu.wait_dma2 semaphore(%run_scoped3A : memref<!tpu.dma_semaphore, #tpu.memory_space<semaphore_mem>>) src(%dma_wait3A_131 : memref<632x136xf32, #tpu.memory_space<vmem_shared>>) dst(%dma_wait3A_129 : memref<632x136xf32, #tpu.memory_space<hbm>>)
      tpu.yield
    }) : () -> ()
    return
  }
}

#map = affine_map<(d0, d1) -> (0, 0)>
#map1 = affine_map<(d0, d1) -> (0, 0, 0)>
module attributes {stable_mosaic.version = 14 : i64} {
  func.func @agg_kernel(%arg0: i32, %arg1: i32, %arg2: memref<10112x48xf32, #tpu.memory_space<hbm>>, %arg3: memref<2504x128xi32, #tpu.memory_space<hbm>>, %arg4: memref<2504x128xi32, #tpu.memory_space<hbm>>, %arg5: memref<632x48xf32, #tpu.memory_space<hbm>>, %arg6: memref<2x10112x48xf32, #tpu.memory_space<hbm>>, %arg7: memref<10112x48xf32, #tpu.memory_space<vmem_shared>>, %arg8: memref<79x128xi32, #tpu.memory_space<vmem>>, %arg9: memref<79x128xi32, #tpu.memory_space<vmem>>, %arg10: memref<128x48xf32, #tpu.memory_space<vmem>>, %arg11: memref<128x48xf32, #tpu.memory_space<vmem>>, %arg12: memref<128x48xf32, #tpu.memory_space<vmem>>, %arg13: memref<!tpu.dma_semaphore, #tpu.memory_space<semaphore_mem>>, %arg14: memref<!tpu.dma_semaphore, #tpu.memory_space<semaphore_mem>>, %arg15: memref<!tpu.dma_semaphore, #tpu.memory_space<semaphore_mem>>, %arg16: memref<!tpu.dma_semaphore, #tpu.memory_space<semaphore_mem>>, %arg17: memref<!tpu.dma_semaphore, #tpu.memory_space<semaphore_mem>>, %arg18: memref<!tpu.dma_semaphore, #tpu.memory_space<semaphore_mem>>) attributes {dimension_semantics = [#tpu.dimension_semantics<core_parallel>, #tpu.dimension_semantics<subcore_parallel>], iteration_bounds = array<i64: 2, 16>, scalar_prefetch = 0 : i64, scratch_operands = 12 : i64, tpu.core_type = #tpu.core_type<sc_vector_subcore>, window_params = [{transform_indices = #map}, {transform_indices = #map}, {transform_indices = #map}, {transform_indices = #map}, {transform_indices = #map1}]} {
    %mul3A = arith.constant 2 : i32
    %mul3A_0 = arith.muli %arg1, %mul3A : i32
    %add3A = arith.addi %mul3A_0, %arg0 : i32
    %mul3A_1 = arith.constant 632 : i32
    %mul3A_2 = arith.muli %arg1, %mul3A_1 : i32
    %mul3A_3 = arith.constant 78 : i32
    %mul3A_4 = arith.muli %mul3A_3, %add3A : i32
    %min3A = arith.constant 4 : i32
    %min3A_5 = arith.minsi %add3A, %min3A : i32
    %add3A_6 = arith.addi %mul3A_4, %min3A_5 : i32
    %dma_start3A = arith.constant 0 : i32
    %dma_start3A_7 = tpu.memref_slice %arg7[%mul3A_2, %dma_start3A] : memref<10112x48xf32, #tpu.memory_space<vmem_shared>> -> memref<632x48xf32, #tpu.memory_space<vmem_shared>>
    tpu.enqueue_dma source(%arg5 : memref<632x48xf32, #tpu.memory_space<hbm>>) target(%dma_start3A_7 : memref<632x48xf32, #tpu.memory_space<vmem_shared>>) target_semaphore(%arg13 : memref<!tpu.dma_semaphore, #tpu.memory_space<semaphore_mem>>)
    %dma_start3A_8 = arith.constant 0 : i32
    %dma_start3A_9 = tpu.memref_slice %arg3[%add3A_6, %dma_start3A_8] : memref<2504x128xi32, #tpu.memory_space<hbm>> -> memref<79x128xi32, #tpu.memory_space<hbm>>
    %dma_start3A_10 = arith.constant 0 : i32
    %dma_start3A_11 = tpu.memref_slice %arg3[%add3A_6, %dma_start3A_10] : memref<2504x128xi32, #tpu.memory_space<hbm>> -> memref<79x128xi32, #tpu.memory_space<hbm>>
    tpu.enqueue_dma source(%dma_start3A_11 : memref<79x128xi32, #tpu.memory_space<hbm>>) target(%arg8 : memref<79x128xi32, #tpu.memory_space<vmem>>) target_semaphore(%arg14 : memref<!tpu.dma_semaphore, #tpu.memory_space<semaphore_mem>>)
    %dma_start3A_12 = arith.constant 0 : i32
    %dma_start3A_13 = tpu.memref_slice %arg4[%add3A_6, %dma_start3A_12] : memref<2504x128xi32, #tpu.memory_space<hbm>> -> memref<79x128xi32, #tpu.memory_space<hbm>>
    %dma_start3A_14 = arith.constant 0 : i32
    %dma_start3A_15 = tpu.memref_slice %arg4[%add3A_6, %dma_start3A_14] : memref<2504x128xi32, #tpu.memory_space<hbm>> -> memref<79x128xi32, #tpu.memory_space<hbm>>
    tpu.enqueue_dma source(%dma_start3A_15 : memref<79x128xi32, #tpu.memory_space<hbm>>) target(%arg9 : memref<79x128xi32, #tpu.memory_space<vmem>>) target_semaphore(%arg16 : memref<!tpu.dma_semaphore, #tpu.memory_space<semaphore_mem>>)
    %dma_wait3A = arith.constant 0 : i32
    %dma_wait3A_16 = tpu.memref_slice %arg7[%mul3A_2, %dma_wait3A] : memref<10112x48xf32, #tpu.memory_space<vmem_shared>> -> memref<632x48xf32, #tpu.memory_space<vmem_shared>>
    tpu.wait_dma2 semaphore(%arg13 : memref<!tpu.dma_semaphore, #tpu.memory_space<semaphore_mem>>) src(%arg5 : memref<632x48xf32, #tpu.memory_space<hbm>>) dst(%dma_wait3A_16 : memref<632x48xf32, #tpu.memory_space<vmem_shared>>)
    %dma_wait3A_17 = arith.constant 0 : i32
    %dma_wait3A_18 = tpu.memref_slice %arg3[%add3A_6, %dma_wait3A_17] : memref<2504x128xi32, #tpu.memory_space<hbm>> -> memref<79x128xi32, #tpu.memory_space<hbm>>
    %dma_wait3A_19 = arith.constant 0 : i32
    %dma_wait3A_20 = tpu.memref_slice %arg3[%add3A_6, %dma_wait3A_19] : memref<2504x128xi32, #tpu.memory_space<hbm>> -> memref<79x128xi32, #tpu.memory_space<hbm>>
    tpu.wait_dma2 semaphore(%arg14 : memref<!tpu.dma_semaphore, #tpu.memory_space<semaphore_mem>>) src(%dma_wait3A_20 : memref<79x128xi32, #tpu.memory_space<hbm>>) dst(%arg8 : memref<79x128xi32, #tpu.memory_space<vmem>>)
    %dma_wait3A_21 = arith.constant 0 : i32
    %dma_wait3A_22 = tpu.memref_slice %arg4[%add3A_6, %dma_wait3A_21] : memref<2504x128xi32, #tpu.memory_space<hbm>> -> memref<79x128xi32, #tpu.memory_space<hbm>>
    %dma_wait3A_23 = arith.constant 0 : i32
    %dma_wait3A_24 = tpu.memref_slice %arg4[%add3A_6, %dma_wait3A_23] : memref<2504x128xi32, #tpu.memory_space<hbm>> -> memref<79x128xi32, #tpu.memory_space<hbm>>
    tpu.wait_dma2 semaphore(%arg16 : memref<!tpu.dma_semaphore, #tpu.memory_space<semaphore_mem>>) src(%dma_wait3A_24 : memref<79x128xi32, #tpu.memory_space<hbm>>) dst(%arg9 : memref<79x128xi32, #tpu.memory_space<vmem>>)
    %lt3A = arith.constant 4 : i32
    %lt3A_25 = arith.cmpi slt, %add3A, %lt3A : i32
    %barrier3A = arith.constant 0 : index
    tpu.barrier barrier_id(%barrier3A)
    %dma_start3A_26 = arith.constant 0 : i32
    %dma_start3A_27 = arith.constant 0 : i32
    %dma_start3A_28 = tpu.memref_slice %arg8[%dma_start3A_26, %dma_start3A_27] : memref<79x128xi32, #tpu.memory_space<vmem>> -> memref<1x128xi32, #tpu.memory_space<vmem>>
    %dma_start3A_29 = tpu.memref_squeeze %dma_start3A_28 : memref<1x128xi32, #tpu.memory_space<vmem>> -> memref<128xi32, #tpu.memory_space<vmem>>
    %dma_start3A_30 = arith.constant 0 : i32
    %dma_start3A_31 = arith.constant 0 : i32
    %dma_start3A_32 = tpu.memref_slice %arg2[%dma_start3A_30, %dma_start3A_31] : memref<10112x48xf32, #tpu.memory_space<hbm>> -> memref<10112x48xf32, #tpu.memory_space<hbm>>
    tpu.enqueue_indirect_dma source(%dma_start3A_32 : memref<10112x48xf32, #tpu.memory_space<hbm>>) target(%arg10 : memref<128x48xf32, #tpu.memory_space<vmem>>) offsets(%dma_start3A_29 : memref<128xi32, #tpu.memory_space<vmem>>) semaphore(%arg13 : memref<!tpu.dma_semaphore, #tpu.memory_space<semaphore_mem>>)
    %dma_wait3A_33 = arith.constant 0 : i32
    %dma_wait3A_34 = arith.constant 0 : i32
    %dma_wait3A_35 = tpu.memref_slice %arg8[%dma_wait3A_33, %dma_wait3A_34] : memref<79x128xi32, #tpu.memory_space<vmem>> -> memref<1x128xi32, #tpu.memory_space<vmem>>
    %dma_wait3A_36 = tpu.memref_squeeze %dma_wait3A_35 : memref<1x128xi32, #tpu.memory_space<vmem>> -> memref<128xi32, #tpu.memory_space<vmem>>
    %dma_wait3A_37 = arith.constant 0 : i32
    %dma_wait3A_38 = arith.constant 0 : i32
    %dma_wait3A_39 = tpu.memref_slice %arg2[%dma_wait3A_37, %dma_wait3A_38] : memref<10112x48xf32, #tpu.memory_space<hbm>> -> memref<10112x48xf32, #tpu.memory_space<hbm>>
    tpu.wait_indirect_dma semaphore(%arg13 : memref<!tpu.dma_semaphore, #tpu.memory_space<semaphore_mem>>) src(%dma_wait3A_39 : memref<10112x48xf32, #tpu.memory_space<hbm>>) dst(%arg10 : memref<128x48xf32, #tpu.memory_space<vmem>>)
    %dma_start3A_40 = arith.constant 1 : i32
    %dma_start3A_41 = arith.constant 0 : i32
    %dma_start3A_42 = tpu.memref_slice %arg8[%dma_start3A_40, %dma_start3A_41] : memref<79x128xi32, #tpu.memory_space<vmem>> -> memref<1x128xi32, #tpu.memory_space<vmem>>
    %dma_start3A_43 = tpu.memref_squeeze %dma_start3A_42 : memref<1x128xi32, #tpu.memory_space<vmem>> -> memref<128xi32, #tpu.memory_space<vmem>>
    %dma_start3A_44 = arith.constant 0 : i32
    %dma_start3A_45 = arith.constant 0 : i32
    %dma_start3A_46 = tpu.memref_slice %arg2[%dma_start3A_44, %dma_start3A_45] : memref<10112x48xf32, #tpu.memory_space<hbm>> -> memref<10112x48xf32, #tpu.memory_space<hbm>>
    tpu.enqueue_indirect_dma source(%dma_start3A_46 : memref<10112x48xf32, #tpu.memory_space<hbm>>) target(%arg11 : memref<128x48xf32, #tpu.memory_space<vmem>>) offsets(%dma_start3A_43 : memref<128xi32, #tpu.memory_space<vmem>>) semaphore(%arg14 : memref<!tpu.dma_semaphore, #tpu.memory_space<semaphore_mem>>)
    %dma_start3A_47 = arith.constant 0 : i32
    %dma_start3A_48 = arith.constant 0 : i32
    %dma_start3A_49 = tpu.memref_slice %arg9[%dma_start3A_47, %dma_start3A_48] : memref<79x128xi32, #tpu.memory_space<vmem>> -> memref<1x128xi32, #tpu.memory_space<vmem>>
    %dma_start3A_50 = tpu.memref_squeeze %dma_start3A_49 : memref<1x128xi32, #tpu.memory_space<vmem>> -> memref<128xi32, #tpu.memory_space<vmem>>
    %dma_start3A_51 = arith.constant 0 : i32
    %dma_start3A_52 = arith.constant 0 : i32
    %dma_start3A_53 = tpu.memref_slice %arg7[%dma_start3A_51, %dma_start3A_52] : memref<10112x48xf32, #tpu.memory_space<vmem_shared>> -> memref<10112x48xf32, #tpu.memory_space<vmem_shared>>
    tpu.enqueue_indirect_dma source(%arg10 : memref<128x48xf32, #tpu.memory_space<vmem>>) target(%dma_start3A_53 : memref<10112x48xf32, #tpu.memory_space<vmem_shared>>) offsets(%dma_start3A_50 : memref<128xi32, #tpu.memory_space<vmem>>) semaphore(%arg16 : memref<!tpu.dma_semaphore, #tpu.memory_space<semaphore_mem>>) {add = true}
    %dma_wait3A_54 = arith.constant 1 : i32
    %dma_wait3A_55 = arith.constant 0 : i32
    %dma_wait3A_56 = tpu.memref_slice %arg8[%dma_wait3A_54, %dma_wait3A_55] : memref<79x128xi32, #tpu.memory_space<vmem>> -> memref<1x128xi32, #tpu.memory_space<vmem>>
    %dma_wait3A_57 = tpu.memref_squeeze %dma_wait3A_56 : memref<1x128xi32, #tpu.memory_space<vmem>> -> memref<128xi32, #tpu.memory_space<vmem>>
    %dma_wait3A_58 = arith.constant 0 : i32
    %dma_wait3A_59 = arith.constant 0 : i32
    %dma_wait3A_60 = tpu.memref_slice %arg2[%dma_wait3A_58, %dma_wait3A_59] : memref<10112x48xf32, #tpu.memory_space<hbm>> -> memref<10112x48xf32, #tpu.memory_space<hbm>>
    tpu.wait_indirect_dma semaphore(%arg14 : memref<!tpu.dma_semaphore, #tpu.memory_space<semaphore_mem>>) src(%dma_wait3A_60 : memref<10112x48xf32, #tpu.memory_space<hbm>>) dst(%arg11 : memref<128x48xf32, #tpu.memory_space<vmem>>)
    %dma_start3A_61 = arith.constant 2 : i32
    %dma_start3A_62 = arith.constant 0 : i32
    %dma_start3A_63 = tpu.memref_slice %arg8[%dma_start3A_61, %dma_start3A_62] : memref<79x128xi32, #tpu.memory_space<vmem>> -> memref<1x128xi32, #tpu.memory_space<vmem>>
    %dma_start3A_64 = tpu.memref_squeeze %dma_start3A_63 : memref<1x128xi32, #tpu.memory_space<vmem>> -> memref<128xi32, #tpu.memory_space<vmem>>
    %dma_start3A_65 = arith.constant 0 : i32
    %dma_start3A_66 = arith.constant 0 : i32
    %dma_start3A_67 = tpu.memref_slice %arg2[%dma_start3A_65, %dma_start3A_66] : memref<10112x48xf32, #tpu.memory_space<hbm>> -> memref<10112x48xf32, #tpu.memory_space<hbm>>
    tpu.enqueue_indirect_dma source(%dma_start3A_67 : memref<10112x48xf32, #tpu.memory_space<hbm>>) target(%arg12 : memref<128x48xf32, #tpu.memory_space<vmem>>) offsets(%dma_start3A_64 : memref<128xi32, #tpu.memory_space<vmem>>) semaphore(%arg15 : memref<!tpu.dma_semaphore, #tpu.memory_space<semaphore_mem>>)
    %dma_start3A_68 = arith.constant 1 : i32
    %dma_start3A_69 = arith.constant 0 : i32
    %dma_start3A_70 = tpu.memref_slice %arg9[%dma_start3A_68, %dma_start3A_69] : memref<79x128xi32, #tpu.memory_space<vmem>> -> memref<1x128xi32, #tpu.memory_space<vmem>>
    %dma_start3A_71 = tpu.memref_squeeze %dma_start3A_70 : memref<1x128xi32, #tpu.memory_space<vmem>> -> memref<128xi32, #tpu.memory_space<vmem>>
    %dma_start3A_72 = arith.constant 0 : i32
    %dma_start3A_73 = arith.constant 0 : i32
    %dma_start3A_74 = tpu.memref_slice %arg7[%dma_start3A_72, %dma_start3A_73] : memref<10112x48xf32, #tpu.memory_space<vmem_shared>> -> memref<10112x48xf32, #tpu.memory_space<vmem_shared>>
    tpu.enqueue_indirect_dma source(%arg11 : memref<128x48xf32, #tpu.memory_space<vmem>>) target(%dma_start3A_74 : memref<10112x48xf32, #tpu.memory_space<vmem_shared>>) offsets(%dma_start3A_71 : memref<128xi32, #tpu.memory_space<vmem>>) semaphore(%arg17 : memref<!tpu.dma_semaphore, #tpu.memory_space<semaphore_mem>>) {add = true}
    %scan3A = arith.constant 0 : i32
    %scan3A_75 = arith.constant 25 : i32
    %scan3A_76 = arith.addi %scan3A, %scan3A_75 : i32
    %scan3A_77 = arith.constant 1 : i32
    scf.for %scan3A_122 = %scan3A to %scan3A_76 step %scan3A_77  : i32 {
      %mul3A_123 = arith.constant 1 : i32
      %mul3A_124 = arith.muli %scan3A_122, %mul3A_123 : i32
      %add3A_125 = arith.constant 0 : i32
      %add3A_126 = arith.addi %add3A_125, %mul3A_124 : i32
      %mul3A_127 = arith.constant 3 : i32
      %mul3A_128 = arith.muli %mul3A_127, %add3A_126 : i32
      %add3A_129 = arith.constant 2 : i32
      %add3A_130 = arith.addi %mul3A_128, %add3A_129 : i32
      %add3A_131 = arith.constant 0 : i32
      %add3A_132 = arith.addi %add3A_130, %add3A_131 : i32
      %dma_wait3A_133 = arith.constant 0 : i32
      %dma_wait3A_134 = tpu.memref_slice %arg8[%add3A_132, %dma_wait3A_133] : memref<79x128xi32, #tpu.memory_space<vmem>> -> memref<1x128xi32, #tpu.memory_space<vmem>>
      %dma_wait3A_135 = tpu.memref_squeeze %dma_wait3A_134 : memref<1x128xi32, #tpu.memory_space<vmem>> -> memref<128xi32, #tpu.memory_space<vmem>>
      %dma_wait3A_136 = arith.constant 0 : i32
      %dma_wait3A_137 = arith.constant 0 : i32
      %dma_wait3A_138 = tpu.memref_slice %arg2[%dma_wait3A_136, %dma_wait3A_137] : memref<10112x48xf32, #tpu.memory_space<hbm>> -> memref<10112x48xf32, #tpu.memory_space<hbm>>
      tpu.wait_indirect_dma semaphore(%arg15 : memref<!tpu.dma_semaphore, #tpu.memory_space<semaphore_mem>>) src(%dma_wait3A_138 : memref<10112x48xf32, #tpu.memory_space<hbm>>) dst(%arg12 : memref<128x48xf32, #tpu.memory_space<vmem>>)
      %sub3A = arith.constant 2 : i32
      %sub3A_139 = arith.subi %add3A_132, %sub3A : i32
      %dma_wait3A_140 = arith.constant 0 : i32
      %dma_wait3A_141 = tpu.memref_slice %arg9[%sub3A_139, %dma_wait3A_140] : memref<79x128xi32, #tpu.memory_space<vmem>> -> memref<1x128xi32, #tpu.memory_space<vmem>>
      %dma_wait3A_142 = tpu.memref_squeeze %dma_wait3A_141 : memref<1x128xi32, #tpu.memory_space<vmem>> -> memref<128xi32, #tpu.memory_space<vmem>>
      %dma_wait3A_143 = arith.constant 0 : i32
      %dma_wait3A_144 = arith.constant 0 : i32
      %dma_wait3A_145 = tpu.memref_slice %arg7[%dma_wait3A_143, %dma_wait3A_144] : memref<10112x48xf32, #tpu.memory_space<vmem_shared>> -> memref<10112x48xf32, #tpu.memory_space<vmem_shared>>
      tpu.wait_indirect_dma semaphore(%arg16 : memref<!tpu.dma_semaphore, #tpu.memory_space<semaphore_mem>>) src(%arg10 : memref<128x48xf32, #tpu.memory_space<vmem>>) dst(%dma_wait3A_145 : memref<10112x48xf32, #tpu.memory_space<vmem_shared>>)
      %add3A_146 = arith.constant 1 : i32
      %add3A_147 = arith.addi %add3A_132, %add3A_146 : i32
      %dma_start3A_148 = arith.constant 0 : i32
      %dma_start3A_149 = tpu.memref_slice %arg8[%add3A_147, %dma_start3A_148] : memref<79x128xi32, #tpu.memory_space<vmem>> -> memref<1x128xi32, #tpu.memory_space<vmem>>
      %dma_start3A_150 = tpu.memref_squeeze %dma_start3A_149 : memref<1x128xi32, #tpu.memory_space<vmem>> -> memref<128xi32, #tpu.memory_space<vmem>>
      %dma_start3A_151 = arith.constant 0 : i32
      %dma_start3A_152 = arith.constant 0 : i32
      %dma_start3A_153 = tpu.memref_slice %arg2[%dma_start3A_151, %dma_start3A_152] : memref<10112x48xf32, #tpu.memory_space<hbm>> -> memref<10112x48xf32, #tpu.memory_space<hbm>>
      tpu.enqueue_indirect_dma source(%dma_start3A_153 : memref<10112x48xf32, #tpu.memory_space<hbm>>) target(%arg10 : memref<128x48xf32, #tpu.memory_space<vmem>>) offsets(%dma_start3A_150 : memref<128xi32, #tpu.memory_space<vmem>>) semaphore(%arg13 : memref<!tpu.dma_semaphore, #tpu.memory_space<semaphore_mem>>)
      %dma_start3A_154 = arith.constant 0 : i32
      %dma_start3A_155 = tpu.memref_slice %arg9[%add3A_132, %dma_start3A_154] : memref<79x128xi32, #tpu.memory_space<vmem>> -> memref<1x128xi32, #tpu.memory_space<vmem>>
      %dma_start3A_156 = tpu.memref_squeeze %dma_start3A_155 : memref<1x128xi32, #tpu.memory_space<vmem>> -> memref<128xi32, #tpu.memory_space<vmem>>
      %dma_start3A_157 = arith.constant 0 : i32
      %dma_start3A_158 = arith.constant 0 : i32
      %dma_start3A_159 = tpu.memref_slice %arg7[%dma_start3A_157, %dma_start3A_158] : memref<10112x48xf32, #tpu.memory_space<vmem_shared>> -> memref<10112x48xf32, #tpu.memory_space<vmem_shared>>
      tpu.enqueue_indirect_dma source(%arg12 : memref<128x48xf32, #tpu.memory_space<vmem>>) target(%dma_start3A_159 : memref<10112x48xf32, #tpu.memory_space<vmem_shared>>) offsets(%dma_start3A_156 : memref<128xi32, #tpu.memory_space<vmem>>) semaphore(%arg18 : memref<!tpu.dma_semaphore, #tpu.memory_space<semaphore_mem>>) {add = true}
      %mul3A_160 = arith.constant 3 : i32
      %mul3A_161 = arith.muli %mul3A_160, %add3A_126 : i32
      %add3A_162 = arith.constant 2 : i32
      %add3A_163 = arith.addi %mul3A_161, %add3A_162 : i32
      %add3A_164 = arith.constant 1 : i32
      %add3A_165 = arith.addi %add3A_163, %add3A_164 : i32
      %dma_wait3A_166 = arith.constant 0 : i32
      %dma_wait3A_167 = tpu.memref_slice %arg8[%add3A_165, %dma_wait3A_166] : memref<79x128xi32, #tpu.memory_space<vmem>> -> memref<1x128xi32, #tpu.memory_space<vmem>>
      %dma_wait3A_168 = tpu.memref_squeeze %dma_wait3A_167 : memref<1x128xi32, #tpu.memory_space<vmem>> -> memref<128xi32, #tpu.memory_space<vmem>>
      %dma_wait3A_169 = arith.constant 0 : i32
      %dma_wait3A_170 = arith.constant 0 : i32
      %dma_wait3A_171 = tpu.memref_slice %arg2[%dma_wait3A_169, %dma_wait3A_170] : memref<10112x48xf32, #tpu.memory_space<hbm>> -> memref<10112x48xf32, #tpu.memory_space<hbm>>
      tpu.wait_indirect_dma semaphore(%arg13 : memref<!tpu.dma_semaphore, #tpu.memory_space<semaphore_mem>>) src(%dma_wait3A_171 : memref<10112x48xf32, #tpu.memory_space<hbm>>) dst(%arg10 : memref<128x48xf32, #tpu.memory_space<vmem>>)
      %sub3A_172 = arith.constant 2 : i32
      %sub3A_173 = arith.subi %add3A_165, %sub3A_172 : i32
      %dma_wait3A_174 = arith.constant 0 : i32
      %dma_wait3A_175 = tpu.memref_slice %arg9[%sub3A_173, %dma_wait3A_174] : memref<79x128xi32, #tpu.memory_space<vmem>> -> memref<1x128xi32, #tpu.memory_space<vmem>>
      %dma_wait3A_176 = tpu.memref_squeeze %dma_wait3A_175 : memref<1x128xi32, #tpu.memory_space<vmem>> -> memref<128xi32, #tpu.memory_space<vmem>>
      %dma_wait3A_177 = arith.constant 0 : i32
      %dma_wait3A_178 = arith.constant 0 : i32
      %dma_wait3A_179 = tpu.memref_slice %arg7[%dma_wait3A_177, %dma_wait3A_178] : memref<10112x48xf32, #tpu.memory_space<vmem_shared>> -> memref<10112x48xf32, #tpu.memory_space<vmem_shared>>
      tpu.wait_indirect_dma semaphore(%arg17 : memref<!tpu.dma_semaphore, #tpu.memory_space<semaphore_mem>>) src(%arg11 : memref<128x48xf32, #tpu.memory_space<vmem>>) dst(%dma_wait3A_179 : memref<10112x48xf32, #tpu.memory_space<vmem_shared>>)
      %add3A_180 = arith.constant 1 : i32
      %add3A_181 = arith.addi %add3A_165, %add3A_180 : i32
      %dma_start3A_182 = arith.constant 0 : i32
      %dma_start3A_183 = tpu.memref_slice %arg8[%add3A_181, %dma_start3A_182] : memref<79x128xi32, #tpu.memory_space<vmem>> -> memref<1x128xi32, #tpu.memory_space<vmem>>
      %dma_start3A_184 = tpu.memref_squeeze %dma_start3A_183 : memref<1x128xi32, #tpu.memory_space<vmem>> -> memref<128xi32, #tpu.memory_space<vmem>>
      %dma_start3A_185 = arith.constant 0 : i32
      %dma_start3A_186 = arith.constant 0 : i32
      %dma_start3A_187 = tpu.memref_slice %arg2[%dma_start3A_185, %dma_start3A_186] : memref<10112x48xf32, #tpu.memory_space<hbm>> -> memref<10112x48xf32, #tpu.memory_space<hbm>>
      tpu.enqueue_indirect_dma source(%dma_start3A_187 : memref<10112x48xf32, #tpu.memory_space<hbm>>) target(%arg11 : memref<128x48xf32, #tpu.memory_space<vmem>>) offsets(%dma_start3A_184 : memref<128xi32, #tpu.memory_space<vmem>>) semaphore(%arg14 : memref<!tpu.dma_semaphore, #tpu.memory_space<semaphore_mem>>)
      %dma_start3A_188 = arith.constant 0 : i32
      %dma_start3A_189 = tpu.memref_slice %arg9[%add3A_165, %dma_start3A_188] : memref<79x128xi32, #tpu.memory_space<vmem>> -> memref<1x128xi32, #tpu.memory_space<vmem>>
      %dma_start3A_190 = tpu.memref_squeeze %dma_start3A_189 : memref<1x128xi32, #tpu.memory_space<vmem>> -> memref<128xi32, #tpu.memory_space<vmem>>
      %dma_start3A_191 = arith.constant 0 : i32
      %dma_start3A_192 = arith.constant 0 : i32
      %dma_start3A_193 = tpu.memref_slice %arg7[%dma_start3A_191, %dma_start3A_192] : memref<10112x48xf32, #tpu.memory_space<vmem_shared>> -> memref<10112x48xf32, #tpu.memory_space<vmem_shared>>
      tpu.enqueue_indirect_dma source(%arg10 : memref<128x48xf32, #tpu.memory_space<vmem>>) target(%dma_start3A_193 : memref<10112x48xf32, #tpu.memory_space<vmem_shared>>) offsets(%dma_start3A_190 : memref<128xi32, #tpu.memory_space<vmem>>) semaphore(%arg16 : memref<!tpu.dma_semaphore, #tpu.memory_space<semaphore_mem>>) {add = true}
      %mul3A_194 = arith.constant 3 : i32
      %mul3A_195 = arith.muli %mul3A_194, %add3A_126 : i32
      %add3A_196 = arith.constant 2 : i32
      %add3A_197 = arith.addi %mul3A_195, %add3A_196 : i32
      %add3A_198 = arith.constant 2 : i32
      %add3A_199 = arith.addi %add3A_197, %add3A_198 : i32
      %dma_wait3A_200 = arith.constant 0 : i32
      %dma_wait3A_201 = tpu.memref_slice %arg8[%add3A_199, %dma_wait3A_200] : memref<79x128xi32, #tpu.memory_space<vmem>> -> memref<1x128xi32, #tpu.memory_space<vmem>>
      %dma_wait3A_202 = tpu.memref_squeeze %dma_wait3A_201 : memref<1x128xi32, #tpu.memory_space<vmem>> -> memref<128xi32, #tpu.memory_space<vmem>>
      %dma_wait3A_203 = arith.constant 0 : i32
      %dma_wait3A_204 = arith.constant 0 : i32
      %dma_wait3A_205 = tpu.memref_slice %arg2[%dma_wait3A_203, %dma_wait3A_204] : memref<10112x48xf32, #tpu.memory_space<hbm>> -> memref<10112x48xf32, #tpu.memory_space<hbm>>
      tpu.wait_indirect_dma semaphore(%arg14 : memref<!tpu.dma_semaphore, #tpu.memory_space<semaphore_mem>>) src(%dma_wait3A_205 : memref<10112x48xf32, #tpu.memory_space<hbm>>) dst(%arg11 : memref<128x48xf32, #tpu.memory_space<vmem>>)
      %sub3A_206 = arith.constant 2 : i32
      %sub3A_207 = arith.subi %add3A_199, %sub3A_206 : i32
      %dma_wait3A_208 = arith.constant 0 : i32
      %dma_wait3A_209 = tpu.memref_slice %arg9[%sub3A_207, %dma_wait3A_208] : memref<79x128xi32, #tpu.memory_space<vmem>> -> memref<1x128xi32, #tpu.memory_space<vmem>>
      %dma_wait3A_210 = tpu.memref_squeeze %dma_wait3A_209 : memref<1x128xi32, #tpu.memory_space<vmem>> -> memref<128xi32, #tpu.memory_space<vmem>>
      %dma_wait3A_211 = arith.constant 0 : i32
      %dma_wait3A_212 = arith.constant 0 : i32
      %dma_wait3A_213 = tpu.memref_slice %arg7[%dma_wait3A_211, %dma_wait3A_212] : memref<10112x48xf32, #tpu.memory_space<vmem_shared>> -> memref<10112x48xf32, #tpu.memory_space<vmem_shared>>
      tpu.wait_indirect_dma semaphore(%arg18 : memref<!tpu.dma_semaphore, #tpu.memory_space<semaphore_mem>>) src(%arg12 : memref<128x48xf32, #tpu.memory_space<vmem>>) dst(%dma_wait3A_213 : memref<10112x48xf32, #tpu.memory_space<vmem_shared>>)
      %add3A_214 = arith.constant 1 : i32
      %add3A_215 = arith.addi %add3A_199, %add3A_214 : i32
      %dma_start3A_216 = arith.constant 0 : i32
      %dma_start3A_217 = tpu.memref_slice %arg8[%add3A_215, %dma_start3A_216] : memref<79x128xi32, #tpu.memory_space<vmem>> -> memref<1x128xi32, #tpu.memory_space<vmem>>
      %dma_start3A_218 = tpu.memref_squeeze %dma_start3A_217 : memref<1x128xi32, #tpu.memory_space<vmem>> -> memref<128xi32, #tpu.memory_space<vmem>>
      %dma_start3A_219 = arith.constant 0 : i32
      %dma_start3A_220 = arith.constant 0 : i32
      %dma_start3A_221 = tpu.memref_slice %arg2[%dma_start3A_219, %dma_start3A_220] : memref<10112x48xf32, #tpu.memory_space<hbm>> -> memref<10112x48xf32, #tpu.memory_space<hbm>>
      tpu.enqueue_indirect_dma source(%dma_start3A_221 : memref<10112x48xf32, #tpu.memory_space<hbm>>) target(%arg12 : memref<128x48xf32, #tpu.memory_space<vmem>>) offsets(%dma_start3A_218 : memref<128xi32, #tpu.memory_space<vmem>>) semaphore(%arg15 : memref<!tpu.dma_semaphore, #tpu.memory_space<semaphore_mem>>)
      %dma_start3A_222 = arith.constant 0 : i32
      %dma_start3A_223 = tpu.memref_slice %arg9[%add3A_199, %dma_start3A_222] : memref<79x128xi32, #tpu.memory_space<vmem>> -> memref<1x128xi32, #tpu.memory_space<vmem>>
      %dma_start3A_224 = tpu.memref_squeeze %dma_start3A_223 : memref<1x128xi32, #tpu.memory_space<vmem>> -> memref<128xi32, #tpu.memory_space<vmem>>
      %dma_start3A_225 = arith.constant 0 : i32
      %dma_start3A_226 = arith.constant 0 : i32
      %dma_start3A_227 = tpu.memref_slice %arg7[%dma_start3A_225, %dma_start3A_226] : memref<10112x48xf32, #tpu.memory_space<vmem_shared>> -> memref<10112x48xf32, #tpu.memory_space<vmem_shared>>
      tpu.enqueue_indirect_dma source(%arg11 : memref<128x48xf32, #tpu.memory_space<vmem>>) target(%dma_start3A_227 : memref<10112x48xf32, #tpu.memory_space<vmem_shared>>) offsets(%dma_start3A_224 : memref<128xi32, #tpu.memory_space<vmem>>) semaphore(%arg17 : memref<!tpu.dma_semaphore, #tpu.memory_space<semaphore_mem>>) {add = true}
    }
    %scan3A_78 = arith.constant 25 : i32
    %dma_wait3A_79 = arith.constant 77 : i32
    %dma_wait3A_80 = arith.constant 0 : i32
    %dma_wait3A_81 = tpu.memref_slice %arg8[%dma_wait3A_79, %dma_wait3A_80] : memref<79x128xi32, #tpu.memory_space<vmem>> -> memref<1x128xi32, #tpu.memory_space<vmem>>
    %dma_wait3A_82 = tpu.memref_squeeze %dma_wait3A_81 : memref<1x128xi32, #tpu.memory_space<vmem>> -> memref<128xi32, #tpu.memory_space<vmem>>
    %dma_wait3A_83 = arith.constant 0 : i32
    %dma_wait3A_84 = arith.constant 0 : i32
    %dma_wait3A_85 = tpu.memref_slice %arg2[%dma_wait3A_83, %dma_wait3A_84] : memref<10112x48xf32, #tpu.memory_space<hbm>> -> memref<10112x48xf32, #tpu.memory_space<hbm>>
    tpu.wait_indirect_dma semaphore(%arg15 : memref<!tpu.dma_semaphore, #tpu.memory_space<semaphore_mem>>) src(%dma_wait3A_85 : memref<10112x48xf32, #tpu.memory_space<hbm>>) dst(%arg12 : memref<128x48xf32, #tpu.memory_space<vmem>>)
    %dma_wait3A_86 = arith.constant 75 : i32
    %dma_wait3A_87 = arith.constant 0 : i32
    %dma_wait3A_88 = tpu.memref_slice %arg9[%dma_wait3A_86, %dma_wait3A_87] : memref<79x128xi32, #tpu.memory_space<vmem>> -> memref<1x128xi32, #tpu.memory_space<vmem>>
    %dma_wait3A_89 = tpu.memref_squeeze %dma_wait3A_88 : memref<1x128xi32, #tpu.memory_space<vmem>> -> memref<128xi32, #tpu.memory_space<vmem>>
    %dma_wait3A_90 = arith.constant 0 : i32
    %dma_wait3A_91 = arith.constant 0 : i32
    %dma_wait3A_92 = tpu.memref_slice %arg7[%dma_wait3A_90, %dma_wait3A_91] : memref<10112x48xf32, #tpu.memory_space<vmem_shared>> -> memref<10112x48xf32, #tpu.memory_space<vmem_shared>>
    tpu.wait_indirect_dma semaphore(%arg16 : memref<!tpu.dma_semaphore, #tpu.memory_space<semaphore_mem>>) src(%arg10 : memref<128x48xf32, #tpu.memory_space<vmem>>) dst(%dma_wait3A_92 : memref<10112x48xf32, #tpu.memory_space<vmem_shared>>)
    %convert_element_type3A = arith.extui %lt3A_25 : i1 to i32
    %cond3A = arith.constant 0 : i32
    %cond3A_93 = arith.cmpi ne, %convert_element_type3A, %cond3A : i32
    scf.if %cond3A_93 {
      %dma_start3A_122 = arith.constant 78 : i32
      %dma_start3A_123 = arith.constant 0 : i32
      %dma_start3A_124 = tpu.memref_slice %arg8[%dma_start3A_122, %dma_start3A_123] : memref<79x128xi32, #tpu.memory_space<vmem>> -> memref<1x128xi32, #tpu.memory_space<vmem>>
      %dma_start3A_125 = tpu.memref_squeeze %dma_start3A_124 : memref<1x128xi32, #tpu.memory_space<vmem>> -> memref<128xi32, #tpu.memory_space<vmem>>
      %dma_start3A_126 = arith.constant 0 : i32
      %dma_start3A_127 = arith.constant 0 : i32
      %dma_start3A_128 = tpu.memref_slice %arg2[%dma_start3A_126, %dma_start3A_127] : memref<10112x48xf32, #tpu.memory_space<hbm>> -> memref<10112x48xf32, #tpu.memory_space<hbm>>
      tpu.enqueue_indirect_dma source(%dma_start3A_128 : memref<10112x48xf32, #tpu.memory_space<hbm>>) target(%arg10 : memref<128x48xf32, #tpu.memory_space<vmem>>) offsets(%dma_start3A_125 : memref<128xi32, #tpu.memory_space<vmem>>) semaphore(%arg13 : memref<!tpu.dma_semaphore, #tpu.memory_space<semaphore_mem>>)
    } else {
    }
    %dma_start3A_94 = arith.constant 77 : i32
    %dma_start3A_95 = arith.constant 0 : i32
    %dma_start3A_96 = tpu.memref_slice %arg9[%dma_start3A_94, %dma_start3A_95] : memref<79x128xi32, #tpu.memory_space<vmem>> -> memref<1x128xi32, #tpu.memory_space<vmem>>
    %dma_start3A_97 = tpu.memref_squeeze %dma_start3A_96 : memref<1x128xi32, #tpu.memory_space<vmem>> -> memref<128xi32, #tpu.memory_space<vmem>>
    %dma_start3A_98 = arith.constant 0 : i32
    %dma_start3A_99 = arith.constant 0 : i32
    %dma_start3A_100 = tpu.memref_slice %arg7[%dma_start3A_98, %dma_start3A_99] : memref<10112x48xf32, #tpu.memory_space<vmem_shared>> -> memref<10112x48xf32, #tpu.memory_space<vmem_shared>>
    tpu.enqueue_indirect_dma source(%arg12 : memref<128x48xf32, #tpu.memory_space<vmem>>) target(%dma_start3A_100 : memref<10112x48xf32, #tpu.memory_space<vmem_shared>>) offsets(%dma_start3A_97 : memref<128xi32, #tpu.memory_space<vmem>>) semaphore(%arg18 : memref<!tpu.dma_semaphore, #tpu.memory_space<semaphore_mem>>) {add = true}
    %convert_element_type3A_101 = arith.extui %lt3A_25 : i1 to i32
    %cond3A_102 = arith.constant 0 : i32
    %cond3A_103 = arith.cmpi ne, %convert_element_type3A_101, %cond3A_102 : i32
    scf.if %cond3A_103 {
      %dma_wait3A_122 = arith.constant 78 : i32
      %dma_wait3A_123 = arith.constant 0 : i32
      %dma_wait3A_124 = tpu.memref_slice %arg8[%dma_wait3A_122, %dma_wait3A_123] : memref<79x128xi32, #tpu.memory_space<vmem>> -> memref<1x128xi32, #tpu.memory_space<vmem>>
      %dma_wait3A_125 = tpu.memref_squeeze %dma_wait3A_124 : memref<1x128xi32, #tpu.memory_space<vmem>> -> memref<128xi32, #tpu.memory_space<vmem>>
      %dma_wait3A_126 = arith.constant 0 : i32
      %dma_wait3A_127 = arith.constant 0 : i32
      %dma_wait3A_128 = tpu.memref_slice %arg2[%dma_wait3A_126, %dma_wait3A_127] : memref<10112x48xf32, #tpu.memory_space<hbm>> -> memref<10112x48xf32, #tpu.memory_space<hbm>>
      tpu.wait_indirect_dma semaphore(%arg13 : memref<!tpu.dma_semaphore, #tpu.memory_space<semaphore_mem>>) src(%dma_wait3A_128 : memref<10112x48xf32, #tpu.memory_space<hbm>>) dst(%arg10 : memref<128x48xf32, #tpu.memory_space<vmem>>)
      %dma_start3A_129 = arith.constant 78 : i32
      %dma_start3A_130 = arith.constant 0 : i32
      %dma_start3A_131 = tpu.memref_slice %arg9[%dma_start3A_129, %dma_start3A_130] : memref<79x128xi32, #tpu.memory_space<vmem>> -> memref<1x128xi32, #tpu.memory_space<vmem>>
      %dma_start3A_132 = tpu.memref_squeeze %dma_start3A_131 : memref<1x128xi32, #tpu.memory_space<vmem>> -> memref<128xi32, #tpu.memory_space<vmem>>
      %dma_start3A_133 = arith.constant 0 : i32
      %dma_start3A_134 = arith.constant 0 : i32
      %dma_start3A_135 = tpu.memref_slice %arg7[%dma_start3A_133, %dma_start3A_134] : memref<10112x48xf32, #tpu.memory_space<vmem_shared>> -> memref<10112x48xf32, #tpu.memory_space<vmem_shared>>
      tpu.enqueue_indirect_dma source(%arg10 : memref<128x48xf32, #tpu.memory_space<vmem>>) target(%dma_start3A_135 : memref<10112x48xf32, #tpu.memory_space<vmem_shared>>) offsets(%dma_start3A_132 : memref<128xi32, #tpu.memory_space<vmem>>) semaphore(%arg16 : memref<!tpu.dma_semaphore, #tpu.memory_space<semaphore_mem>>) {add = true}
    } else {
    }
    %dma_wait3A_104 = arith.constant 76 : i32
    %dma_wait3A_105 = arith.constant 0 : i32
    %dma_wait3A_106 = tpu.memref_slice %arg9[%dma_wait3A_104, %dma_wait3A_105] : memref<79x128xi32, #tpu.memory_space<vmem>> -> memref<1x128xi32, #tpu.memory_space<vmem>>
    %dma_wait3A_107 = tpu.memref_squeeze %dma_wait3A_106 : memref<1x128xi32, #tpu.memory_space<vmem>> -> memref<128xi32, #tpu.memory_space<vmem>>
    %dma_wait3A_108 = arith.constant 0 : i32
    %dma_wait3A_109 = arith.constant 0 : i32
    %dma_wait3A_110 = tpu.memref_slice %arg7[%dma_wait3A_108, %dma_wait3A_109] : memref<10112x48xf32, #tpu.memory_space<vmem_shared>> -> memref<10112x48xf32, #tpu.memory_space<vmem_shared>>
    tpu.wait_indirect_dma semaphore(%arg17 : memref<!tpu.dma_semaphore, #tpu.memory_space<semaphore_mem>>) src(%arg11 : memref<128x48xf32, #tpu.memory_space<vmem>>) dst(%dma_wait3A_110 : memref<10112x48xf32, #tpu.memory_space<vmem_shared>>)
    %dma_wait3A_111 = arith.constant 77 : i32
    %dma_wait3A_112 = arith.constant 0 : i32
    %dma_wait3A_113 = tpu.memref_slice %arg9[%dma_wait3A_111, %dma_wait3A_112] : memref<79x128xi32, #tpu.memory_space<vmem>> -> memref<1x128xi32, #tpu.memory_space<vmem>>
    %dma_wait3A_114 = tpu.memref_squeeze %dma_wait3A_113 : memref<1x128xi32, #tpu.memory_space<vmem>> -> memref<128xi32, #tpu.memory_space<vmem>>
    %dma_wait3A_115 = arith.constant 0 : i32
    %dma_wait3A_116 = arith.constant 0 : i32
    %dma_wait3A_117 = tpu.memref_slice %arg7[%dma_wait3A_115, %dma_wait3A_116] : memref<10112x48xf32, #tpu.memory_space<vmem_shared>> -> memref<10112x48xf32, #tpu.memory_space<vmem_shared>>
    tpu.wait_indirect_dma semaphore(%arg18 : memref<!tpu.dma_semaphore, #tpu.memory_space<semaphore_mem>>) src(%arg12 : memref<128x48xf32, #tpu.memory_space<vmem>>) dst(%dma_wait3A_117 : memref<10112x48xf32, #tpu.memory_space<vmem_shared>>)
    %convert_element_type3A_118 = arith.extui %lt3A_25 : i1 to i32
    %cond3A_119 = arith.constant 0 : i32
    %cond3A_120 = arith.cmpi ne, %convert_element_type3A_118, %cond3A_119 : i32
    scf.if %cond3A_120 {
      %dma_wait3A_122 = arith.constant 78 : i32
      %dma_wait3A_123 = arith.constant 0 : i32
      %dma_wait3A_124 = tpu.memref_slice %arg9[%dma_wait3A_122, %dma_wait3A_123] : memref<79x128xi32, #tpu.memory_space<vmem>> -> memref<1x128xi32, #tpu.memory_space<vmem>>
      %dma_wait3A_125 = tpu.memref_squeeze %dma_wait3A_124 : memref<1x128xi32, #tpu.memory_space<vmem>> -> memref<128xi32, #tpu.memory_space<vmem>>
      %dma_wait3A_126 = arith.constant 0 : i32
      %dma_wait3A_127 = arith.constant 0 : i32
      %dma_wait3A_128 = tpu.memref_slice %arg7[%dma_wait3A_126, %dma_wait3A_127] : memref<10112x48xf32, #tpu.memory_space<vmem_shared>> -> memref<10112x48xf32, #tpu.memory_space<vmem_shared>>
      tpu.wait_indirect_dma semaphore(%arg16 : memref<!tpu.dma_semaphore, #tpu.memory_space<semaphore_mem>>) src(%arg10 : memref<128x48xf32, #tpu.memory_space<vmem>>) dst(%dma_wait3A_128 : memref<10112x48xf32, #tpu.memory_space<vmem_shared>>)
    } else {
    }
    %barrier3A_121 = arith.constant 0 : index
    tpu.barrier barrier_id(%barrier3A_121)
    "tpu.region"() ({
      %run_scoped3A = tpu.sem_alloc : memref<!tpu.dma_semaphore, #tpu.memory_space<semaphore_mem>>
      %dma_start3A_122 = arith.constant 0 : i32
      %dma_start3A_123 = tpu.memref_slice %arg6[%arg0, %mul3A_2, %dma_start3A_122] : memref<2x10112x48xf32, #tpu.memory_space<hbm>> -> memref<1x632x48xf32, #tpu.memory_space<hbm>>
      %dma_start3A_124 = tpu.memref_squeeze %dma_start3A_123 : memref<1x632x48xf32, #tpu.memory_space<hbm>> -> memref<632x48xf32, #tpu.memory_space<hbm>>
      %dma_start3A_125 = arith.constant 0 : i32
      %dma_start3A_126 = tpu.memref_slice %arg7[%mul3A_2, %dma_start3A_125] : memref<10112x48xf32, #tpu.memory_space<vmem_shared>> -> memref<632x48xf32, #tpu.memory_space<vmem_shared>>
      tpu.enqueue_dma source(%dma_start3A_126 : memref<632x48xf32, #tpu.memory_space<vmem_shared>>) target(%dma_start3A_124 : memref<632x48xf32, #tpu.memory_space<hbm>>) target_semaphore(%run_scoped3A : memref<!tpu.dma_semaphore, #tpu.memory_space<semaphore_mem>>)
      %dma_wait3A_127 = arith.constant 0 : i32
      %dma_wait3A_128 = tpu.memref_slice %arg6[%arg0, %mul3A_2, %dma_wait3A_127] : memref<2x10112x48xf32, #tpu.memory_space<hbm>> -> memref<1x632x48xf32, #tpu.memory_space<hbm>>
      %dma_wait3A_129 = tpu.memref_squeeze %dma_wait3A_128 : memref<1x632x48xf32, #tpu.memory_space<hbm>> -> memref<632x48xf32, #tpu.memory_space<hbm>>
      %dma_wait3A_130 = arith.constant 0 : i32
      %dma_wait3A_131 = tpu.memref_slice %arg7[%mul3A_2, %dma_wait3A_130] : memref<10112x48xf32, #tpu.memory_space<vmem_shared>> -> memref<632x48xf32, #tpu.memory_space<vmem_shared>>
      tpu.wait_dma2 semaphore(%run_scoped3A : memref<!tpu.dma_semaphore, #tpu.memory_space<semaphore_mem>>) src(%dma_wait3A_131 : memref<632x48xf32, #tpu.memory_space<vmem_shared>>) dst(%dma_wait3A_129 : memref<632x48xf32, #tpu.memory_space<hbm>>)
      tpu.yield
    }) : () -> ()
    return
  }
}

module attributes {stable_mosaic.version = 14 : i64} {
  func.func @body(%arg0: i32, %arg1: memref<2x1264x136xf32, #tpu.memory_space<vmem>>, %arg2: memref<1264x136xf32, #tpu.memory_space<vmem>>, %arg3: memref<128x256xf32, #tpu.memory_space<vmem>>, %arg4: memref<1x256xf32, #tpu.memory_space<vmem>>, %arg5: memref<128x256xf32, #tpu.memory_space<vmem>>, %arg6: memref<256x40xf32, #tpu.memory_space<vmem>>, %arg7: memref<1x40xf32, #tpu.memory_space<vmem>>, %arg8: memref<256x40xf32, #tpu.memory_space<vmem>>, %arg9: memref<1264x48xf32, #tpu.memory_space<vmem>>, %arg10: memref<1264x40xf32, #tpu.memory_space<vmem>>, %arg11: memref<1264x8xf32, #tpu.memory_space<vmem>>) attributes {dimension_semantics = [#tpu.dimension_semantics<arbitrary>], iteration_bounds = array<i64: 8>, scalar_prefetch = 0 : i64, scratch_operands = 0 : i64, tpu.core_type = #tpu.core_type<tc>, window_params = [{transform_indices = @transform_0, window_bounds = array<i64: 2, 1264, 136>}, {transform_indices = @transform_1, window_bounds = array<i64: 1264, 136>}, {pipeline_mode = #tpu.pipeline_mode<synchronous>, transform_indices = @transform_2, window_bounds = array<i64: 128, 256>}, {pipeline_mode = #tpu.pipeline_mode<synchronous>, transform_indices = @transform_3, window_bounds = array<i64: 1, 256>}, {pipeline_mode = #tpu.pipeline_mode<synchronous>, transform_indices = @transform_4, window_bounds = array<i64: 128, 256>}, {pipeline_mode = #tpu.pipeline_mode<synchronous>, transform_indices = @transform_5, window_bounds = array<i64: 256, 40>}, {pipeline_mode = #tpu.pipeline_mode<synchronous>, transform_indices = @transform_6, window_bounds = array<i64: 1, 40>}, {pipeline_mode = #tpu.pipeline_mode<synchronous>, transform_indices = @transform_7, window_bounds = array<i64: 256, 40>}, {transform_indices = @transform_8, window_bounds = array<i64: 1264, 48>}, {transform_indices = @transform_9, window_bounds = array<i64: 1264, 40>}, {transform_indices = @transform_10, window_bounds = array<i64: 1264, 8>}]} {
    %get3A = arith.constant 0 : index
    %get3A_0 = arith.constant 0 : index
    %get3A_1 = arith.constant 0 : index
    %get3A_2 = vector.load %arg1[%get3A, %get3A_0, %get3A_1] : memref<2x1264x136xf32, #tpu.memory_space<vmem>>, vector<1x1264x136xf32>
    %get3A_3 = vector.shape_cast %get3A_2 : vector<1x1264x136xf32> to vector<1264x136xf32>
    %get3A_4 = arith.constant 1 : index
    %get3A_5 = arith.constant 0 : index
    %get3A_6 = arith.constant 0 : index
    %get3A_7 = vector.load %arg1[%get3A_4, %get3A_5, %get3A_6] : memref<2x1264x136xf32, #tpu.memory_space<vmem>>, vector<1x1264x136xf32>
    %get3A_8 = vector.shape_cast %get3A_7 : vector<1x1264x136xf32> to vector<1264x136xf32>
    %add3A = arith.addf %get3A_3, %get3A_8 : vector<1264x136xf32>
    %slice3A = vector.extract_strided_slice %add3A {offsets = [0, 0], sizes = [1264, 128], strides = [1, 1]} : vector<1264x136xf32> to vector<1264x128xf32>
    %slice3A_9 = vector.extract_strided_slice %add3A {offsets = [0, 128], sizes = [1264, 1], strides = [1, 1]} : vector<1264x136xf32> to vector<1264x1xf32>
    %max3A = arith.constant 1.000000e+00 : f32
    %max3A_10 = vector.broadcast %max3A : f32 to vector<1264x1xf32>
    %max3A_11 = arith.maximumf %slice3A_9, %max3A_10 : vector<1264x1xf32>
    %div3A = arith.constant 1.000000e+00 : f32
    %div3A_12 = vector.broadcast %div3A : f32 to vector<1264x1xf32>
    %div3A_13 = arith.divf %div3A_12, %max3A_11 : vector<1264x1xf32>
    %mul3A = vector.broadcast %div3A_13 : vector<1264x1xf32> to vector<1264x128xf32>
    %mul3A_14 = arith.mulf %slice3A, %mul3A : vector<1264x128xf32>
    %get3A_15 = arith.constant 0 : index
    %get3A_16 = arith.constant 0 : index
    %get3A_17 = vector.load %arg3[%get3A_15, %get3A_16] : memref<128x256xf32, #tpu.memory_space<vmem>>, vector<128x256xf32>
    %dot_general3A = arith.constant dense<0.000000e+00> : vector<1264x256xf32>
    %dot_general3A_18 = tpu.matmul %mul3A_14, %get3A_17, %dot_general3A {dimension_numbers = #tpu.dot_dimension_numbers<[1], [0], [0], [1], [0, 0, 1, 1], [], []>, transpose_lhs_hint = false} : vector<1264x128xf32>, vector<128x256xf32>, vector<1264x256xf32> -> vector<1264x256xf32>
    %get3A_19 = arith.constant 0 : index
    %get3A_20 = arith.constant 0 : index
    %get3A_21 = vector.load %arg4[%get3A_19, %get3A_20] : memref<1x256xf32, #tpu.memory_space<vmem>>, vector<1x256xf32>
    %add3A_22 = vector.broadcast %get3A_21 : vector<1x256xf32> to vector<1264x256xf32>
    %add3A_23 = arith.addf %dot_general3A_18, %add3A_22 : vector<1264x256xf32>
    %get3A_24 = arith.constant 0 : index
    %get3A_25 = arith.constant 0 : index
    %get3A_26 = vector.load %arg2[%get3A_24, %get3A_25] : memref<1264x136xf32, #tpu.memory_space<vmem>>, vector<1264x128xf32>
    %get3A_27 = arith.constant 0 : index
    %get3A_28 = arith.constant 0 : index
    %get3A_29 = vector.load %arg5[%get3A_27, %get3A_28] : memref<128x256xf32, #tpu.memory_space<vmem>>, vector<128x256xf32>
    %dot_general3A_30 = arith.constant dense<0.000000e+00> : vector<1264x256xf32>
    %dot_general3A_31 = tpu.matmul %get3A_26, %get3A_29, %dot_general3A_30 {dimension_numbers = #tpu.dot_dimension_numbers<[1], [0], [0], [1], [0, 0, 1, 1], [], []>, transpose_lhs_hint = false} : vector<1264x128xf32>, vector<128x256xf32>, vector<1264x256xf32> -> vector<1264x256xf32>
    %add3A_32 = arith.addf %add3A_23, %dot_general3A_31 : vector<1264x256xf32>
    %max3A_33 = arith.constant 0.000000e+00 : f32
    %max3A_34 = vector.broadcast %max3A_33 : f32 to vector<1264x256xf32>
    %max3A_35 = arith.maximumf %add3A_32, %max3A_34 : vector<1264x256xf32>
    %get3A_36 = arith.constant 0 : index
    %get3A_37 = arith.constant 0 : index
    %get3A_38 = vector.load %arg6[%get3A_36, %get3A_37] : memref<256x40xf32, #tpu.memory_space<vmem>>, vector<256x40xf32>
    %dot_general3A_39 = arith.constant dense<0.000000e+00> : vector<1264x40xf32>
    %dot_general3A_40 = tpu.matmul %max3A_35, %get3A_38, %dot_general3A_39 {dimension_numbers = #tpu.dot_dimension_numbers<[1], [0], [0], [1], [0, 0, 1, 1], [], []>, transpose_lhs_hint = false} : vector<1264x256xf32>, vector<256x40xf32>, vector<1264x40xf32> -> vector<1264x40xf32>
    %get3A_41 = arith.constant 0 : index
    %get3A_42 = arith.constant 0 : index
    %get3A_43 = vector.load %arg8[%get3A_41, %get3A_42] : memref<256x40xf32, #tpu.memory_space<vmem>>, vector<256x40xf32>
    %dot_general3A_44 = arith.constant dense<0.000000e+00> : vector<1264x40xf32>
    %dot_general3A_45 = tpu.matmul %max3A_35, %get3A_43, %dot_general3A_44 {dimension_numbers = #tpu.dot_dimension_numbers<[1], [0], [0], [1], [0, 0, 1, 1], [], []>, transpose_lhs_hint = false} : vector<1264x256xf32>, vector<256x40xf32>, vector<1264x40xf32> -> vector<1264x40xf32>
    %get3A_46 = arith.constant 0 : index
    %get3A_47 = arith.constant 0 : index
    %get3A_48 = vector.load %arg7[%get3A_46, %get3A_47] : memref<1x40xf32, #tpu.memory_space<vmem>>, vector<1x40xf32>
    %add3A_49 = vector.broadcast %get3A_48 : vector<1x40xf32> to vector<1264x40xf32>
    %add3A_50 = arith.addf %dot_general3A_45, %add3A_49 : vector<1264x40xf32>
    %jit3A = arith.constant 0 : i32
    %convert_element_type3A = arith.sitofp %jit3A : i32 to f32
    %pad3A = vector.broadcast %convert_element_type3A : f32 to vector<1264x8xf32>
    %pad3A_51 = tpu.concatenate %dot_general3A_40, %pad3A in 1 : vector<1264x40xf32>, vector<1264x8xf32> -> vector<1264x48xf32>
    %swap3A = arith.constant 0 : index
    %swap3A_52 = arith.constant 0 : index
    %swap3A_53 = vector.load %arg9[%swap3A, %swap3A_52] : memref<1264x48xf32, #tpu.memory_space<vmem>>, vector<1264x48xf32>
    tpu.vector_store %arg9[%swap3A, %swap3A_52], %pad3A_51 {strides = array<i32>} : memref<1264x48xf32, #tpu.memory_space<vmem>>, vector<1264x48xf32>,
    %swap3A_54 = arith.constant 0 : index
    %swap3A_55 = arith.constant 0 : index
    %swap3A_56 = vector.load %arg10[%swap3A_54, %swap3A_55] : memref<1264x40xf32, #tpu.memory_space<vmem>>, vector<1264x40xf32>
    tpu.vector_store %arg10[%swap3A_54, %swap3A_55], %add3A_50 {strides = array<i32>} : memref<1264x40xf32, #tpu.memory_space<vmem>>, vector<1264x40xf32>,
    %broadcast_in_dim3A = vector.shape_cast %div3A_13 : vector<1264x1xf32> to vector<1264x1xf32>
    %broadcast_in_dim3A_57 = vector.broadcast %broadcast_in_dim3A : vector<1264x1xf32> to vector<1264x8xf32>
    %swap3A_58 = arith.constant 0 : index
    %swap3A_59 = arith.constant 0 : index
    %swap3A_60 = vector.load %arg11[%swap3A_58, %swap3A_59] : memref<1264x8xf32, #tpu.memory_space<vmem>>, vector<1264x8xf32>
    tpu.vector_store %arg11[%swap3A_58, %swap3A_59], %broadcast_in_dim3A_57 {strides = array<i32>} : memref<1264x8xf32, #tpu.memory_space<vmem>>, vector<1264x8xf32>,
    return
  }
  func.func @transform_0(%arg0: i32) -> (i32, i32, i32) {
    %c0_i32 = arith.constant 0 : i32
    %c0_i32_0 = arith.constant 0 : i32
    %c0_i32_1 = arith.constant 0 : i32
    return %c0_i32, %arg0, %c0_i32_0 : i32, i32, i32
  }
  func.func @transform_1(%arg0: i32) -> (i32, i32) {
    %c0_i32 = arith.constant 0 : i32
    %c0_i32_0 = arith.constant 0 : i32
    return %arg0, %c0_i32 : i32, i32
  }
  func.func @transform_2(%arg0: i32) -> (i32, i32) {
    %c0_i32 = arith.constant 0 : i32
    %c0_i32_0 = arith.constant 0 : i32
    %c0_i32_1 = arith.constant 0 : i32
    return %c0_i32, %c0_i32_0 : i32, i32
  }
  func.func @transform_3(%arg0: i32) -> (i32, i32) {
    %c0_i32 = arith.constant 0 : i32
    %c0_i32_0 = arith.constant 0 : i32
    %c0_i32_1 = arith.constant 0 : i32
    return %c0_i32, %c0_i32_0 : i32, i32
  }
  func.func @transform_4(%arg0: i32) -> (i32, i32) {
    %c0_i32 = arith.constant 0 : i32
    %c0_i32_0 = arith.constant 0 : i32
    %c0_i32_1 = arith.constant 0 : i32
    return %c0_i32, %c0_i32_0 : i32, i32
  }
  func.func @transform_5(%arg0: i32) -> (i32, i32) {
    %c0_i32 = arith.constant 0 : i32
    %c0_i32_0 = arith.constant 0 : i32
    %c0_i32_1 = arith.constant 0 : i32
    return %c0_i32, %c0_i32_0 : i32, i32
  }
  func.func @transform_6(%arg0: i32) -> (i32, i32) {
    %c0_i32 = arith.constant 0 : i32
    %c0_i32_0 = arith.constant 0 : i32
    %c0_i32_1 = arith.constant 0 : i32
    return %c0_i32, %c0_i32_0 : i32, i32
  }
  func.func @transform_7(%arg0: i32) -> (i32, i32) {
    %c0_i32 = arith.constant 0 : i32
    %c0_i32_0 = arith.constant 0 : i32
    %c0_i32_1 = arith.constant 0 : i32
    return %c0_i32, %c0_i32_0 : i32, i32
  }
  func.func @transform_8(%arg0: i32) -> (i32, i32) {
    %c0_i32 = arith.constant 0 : i32
    %c0_i32_0 = arith.constant 0 : i32
    return %arg0, %c0_i32 : i32, i32
  }
  func.func @transform_9(%arg0: i32) -> (i32, i32) {
    %c0_i32 = arith.constant 0 : i32
    %c0_i32_0 = arith.constant 0 : i32
    return %arg0, %c0_i32 : i32, i32
  }
  func.func @transform_10(%arg0: i32) -> (i32, i32) {
    %c0_i32 = arith.constant 0 : i32
    %c0_i32_0 = arith.constant 0 : i32
    return %arg0, %c0_i32 : i32, i32
  }
}

module attributes {stable_mosaic.version = 14 : i64} {
  func.func @body(%arg0: i32, %arg1: memref<2x1000x48xf32, #tpu.memory_space<vmem>>, %arg2: memref<1000x40xf32, #tpu.memory_space<vmem>>, %arg3: memref<1000x8xf32, #tpu.memory_space<vmem>>, %arg4: memref<1000x40xf32, #tpu.memory_space<vmem>>) attributes {dimension_semantics = [#tpu.dimension_semantics<arbitrary>], iteration_bounds = array<i64: 10>, scalar_prefetch = 0 : i64, scratch_operands = 0 : i64, tpu.core_type = #tpu.core_type<tc>, window_params = [{transform_indices = @transform_0, window_bounds = array<i64: 2, 1000, 48>}, {transform_indices = @transform_1, window_bounds = array<i64: 1000, 40>}, {transform_indices = @transform_2, window_bounds = array<i64: 1000, 8>}, {transform_indices = @transform_3, window_bounds = array<i64: 1000, 40>}]} {
    %get3A = arith.constant 0 : index
    %get3A_0 = arith.constant 0 : index
    %get3A_1 = arith.constant 0 : index
    %get3A_2 = vector.load %arg1[%get3A, %get3A_0, %get3A_1] : memref<2x1000x48xf32, #tpu.memory_space<vmem>>, vector<1x1000x48xf32>
    %get3A_3 = vector.shape_cast %get3A_2 : vector<1x1000x48xf32> to vector<1000x48xf32>
    %get3A_4 = arith.constant 1 : index
    %get3A_5 = arith.constant 0 : index
    %get3A_6 = arith.constant 0 : index
    %get3A_7 = vector.load %arg1[%get3A_4, %get3A_5, %get3A_6] : memref<2x1000x48xf32, #tpu.memory_space<vmem>>, vector<1x1000x48xf32>
    %get3A_8 = vector.shape_cast %get3A_7 : vector<1x1000x48xf32> to vector<1000x48xf32>
    %add3A = arith.addf %get3A_3, %get3A_8 : vector<1000x48xf32>
    %slice3A = vector.extract_strided_slice %add3A {offsets = [0, 0], sizes = [1000, 40], strides = [1, 1]} : vector<1000x48xf32> to vector<1000x40xf32>
    %get3A_9 = arith.constant 0 : index
    %get3A_10 = arith.constant 0 : index
    %get3A_11 = vector.load %arg3[%get3A_9, %get3A_10] : memref<1000x8xf32, #tpu.memory_space<vmem>>, vector<1000x1xf32>
    %mul3A = vector.broadcast %get3A_11 : vector<1000x1xf32> to vector<1000x40xf32>
    %mul3A_12 = arith.mulf %slice3A, %mul3A : vector<1000x40xf32>
    %get3A_13 = arith.constant 0 : index
    %get3A_14 = arith.constant 0 : index
    %get3A_15 = vector.load %arg2[%get3A_13, %get3A_14] : memref<1000x40xf32, #tpu.memory_space<vmem>>, vector<1000x40xf32>
    %add3A_16 = arith.addf %mul3A_12, %get3A_15 : vector<1000x40xf32>
    %reduce_max3A = arith.constant dense<0xFF800000> : vector<1000xf32>
    %reduce_max3A_17 = vector.multi_reduction <maximumf>, %add3A_16, %reduce_max3A [1] : vector<1000x40xf32> to vector<1000xf32>
    %broadcast_in_dim3A = vector.shape_cast %reduce_max3A_17 : vector<1000xf32> to vector<1000x1xf32>
    %sub3A = vector.broadcast %broadcast_in_dim3A : vector<1000x1xf32> to vector<1000x40xf32>
    %sub3A_18 = arith.subf %add3A_16, %sub3A : vector<1000x40xf32>
    %exp3A = math.exp %sub3A_18 : vector<1000x40xf32>
    %reduce_sum3A = arith.constant dense<0.000000e+00> : vector<1000xf32>
    %reduce_sum3A_19 = vector.multi_reduction <add>, %exp3A, %reduce_sum3A [1] : vector<1000x40xf32> to vector<1000xf32>
    %broadcast_in_dim3A_20 = vector.shape_cast %reduce_sum3A_19 : vector<1000xf32> to vector<1000x1xf32>
    %sub3A_21 = vector.broadcast %broadcast_in_dim3A : vector<1000x1xf32> to vector<1000x40xf32>
    %sub3A_22 = arith.subf %add3A_16, %sub3A_21 : vector<1000x40xf32>
    %log3A = math.log %broadcast_in_dim3A_20 : vector<1000x1xf32>
    %sub3A_23 = vector.broadcast %log3A : vector<1000x1xf32> to vector<1000x40xf32>
    %sub3A_24 = arith.subf %sub3A_22, %sub3A_23 : vector<1000x40xf32>
    %swap3A = arith.constant 0 : index
    %swap3A_25 = arith.constant 0 : index
    %swap3A_26 = vector.load %arg4[%swap3A, %swap3A_25] : memref<1000x40xf32, #tpu.memory_space<vmem>>, vector<1000x40xf32>
    tpu.vector_store %arg4[%swap3A, %swap3A_25], %sub3A_24 {strides = array<i32>} : memref<1000x40xf32, #tpu.memory_space<vmem>>, vector<1000x40xf32>,
    return
  }
  func.func @transform_0(%arg0: i32) -> (i32, i32, i32) {
    %c0_i32 = arith.constant 0 : i32
    %c0_i32_0 = arith.constant 0 : i32
    %c0_i32_1 = arith.constant 0 : i32
    return %c0_i32, %arg0, %c0_i32_0 : i32, i32, i32
  }
  func.func @transform_1(%arg0: i32) -> (i32, i32) {
    %c0_i32 = arith.constant 0 : i32
    %c0_i32_0 = arith.constant 0 : i32
    return %arg0, %c0_i32 : i32, i32
  }
  func.func @transform_2(%arg0: i32) -> (i32, i32) {
    %c0_i32 = arith.constant 0 : i32
    %c0_i32_0 = arith.constant 0 : i32
    return %arg0, %c0_i32 : i32, i32
  }
  func.func @transform_3(%arg0: i32) -> (i32, i32) {
    %c0_i32 = arith.constant 0 : i32
    %c0_i32_0 = arith.constant 0 : i32
    return %arg0, %c0_i32 : i32, i32
  }
}

</mosaic_0001>

<sc_bundles>
// kernel: kernel.6.cloned.1.call-start
scs
__scs_entry_jumppad:
0x0: {  	(pc) =	sbr.rel $0x88, $3  }
0x1: {  	(tag) =	ssettag $0x0;
	lr =	simm.s32 $0x1  }
0x2: {  	[smem:$0x3F99] =	sst lr;
	_ =	strace $0xD0000000  }
0x3: {  	_ = 	snop  }
0x4: {  	_ = 	snop  }
0x5: {  	_ = 	snop  }
0x6: {  	_ = 	snop  }
0x7: {  	_ = 	snop  }
__scs_overlays_trampoline_lowered:
0x8: {  	[smem:$0x3FA8] =	sst s0  }
0x9: {  	[smem:$0x3FA9] =	sst s1  }
0xa: {  	[smem:$0x3FAA] =	sst s2  }
0xb: {  	[smem:$0x3FAB] =	sst s3  }
0xc: {  	[smem:$0x3FAC] =	sst s4  }
0xd: {  	[smem:$0x3FAD] =	sst s5  }
0xe: {  	[smem:$0x3FAE] =	sst s6  }
0xf: {  	[smem:$0x3FAF] =	sst s7  }
0x10: {  	[smem:$0x3FB0] =	sst s8  }
0x11: {  	[smem:$0x3FB1] =	sst s9;
	s0 =	simm.s32 @!p0 $0x0  }
0x12: {  	s1 =	sld [smem:$0x3F97];
	s0 =	simm.s32 @p0 $0x1  }
0x13: {  	[smem:$0x3FB2] =	sst s0;
	s0 =	simm.s32 @!p1 $0x0  }
0x14: {  	s2 =	sld [smem:$0x3F96];
	s0 =	simm.s32 @p1 $0x1  }
0x15: {  	[smem:$0x3FB3] =	sst s0;
	s0 =	simm.s32 @!p2 $0x0  }
0x16: {  	s3 =	sld [smem:$0x3FDB];
	s0 =	simm.s32 @p2 $0x1  }
0x17: {  	s4 =	simm.s32 $0x1BF5;
	[smem:$0x3FB5] =	sst s0  }
0x18: {  	s0 =	sld [smem:$0x3F98];
	_ =	swait.ge [sflag:s4], $0x0  }
0x19: {  	s7 =	sld [smem:$0x3F99]  }
0x1a: {  	s8 =	sadd.s32 $0xFFFFE003, lr  }
0x1b: {  	s9 =	sadd.s32 $0xFFFFFEF7, lr;
	s5 =	simm.s32 $0xFFFFFFFF;
	p2 =	slt.u32 s8, $0xFFFFF086  }
0x1c: {  	p1 =	slt.u32 s9, $0xF7A;
	s5 =	simm.s32 @!p2 $0x0  }
0x1d: {  	s5 =	simm.s32 @p1 $0x1;
	p0 =	seq.s32 s7, s2  }
0x1e: {  	s7 =	smul.u32 @!p0 $0xF7A, s2;
	p2 =	seq.s32 @!p0 s5, $0x0  }
0x1f: {  	s9 =	smul.u32 $0xF7A, s1;
	s8 =	simm.s32 @!p0 $0x1BF5;
	p2 =	por !p2, p0  }
0x20: {  	[sflag:s8] =	ssyncset.s32 @!p0 $0xFFFFF086;
	s6 =	sadd.s32 @!p0 s3, s7;
	s7 =	simm.s32 @!p0 $0x108  }
0x21: {  	s3 =	sadd.s32 s3, s9;
	s6 =	sadd.s32 @!p0 $0x88, s6;
	s7 =	simm.s32 @p2 $0x1082  }
0x22: {  	[simem:s7], [sflag:s8] =	dma.local @!p0 [hbm:s6], $0xF7A  }
0x23: {  	s9 =	sor.u32 $0xD0000000, s2;
	s6 =	simm.s32 $0x108;
	_ =	swait.ge @!p0 [sflag:s8], $0x0  }
0x24: {  	s3 =	sadd.s32 $0x88, s3;
	s6 =	simm.s32 @!p1 $0x1082;
	[sflag:s4] =	ssyncset.s32 $0xFFFFF086  }
0x25: {  	[simem:s6], [sflag:s4] =	dma.local [hbm:s3], $0xF7A  }
0x26: {  	[smem:$0x3F99] =	sst s1;
	(tag) =	ssettag s2;
	_ =	strace s9  }
0x27: {  	s1 =	sld [smem:$0x3FA9]  }
0x28: {  	s2 =	sld [smem:$0x3FAA]  }
0x29: {  	s4 =	sld [smem:$0x3FAC]  }
0x2a: {  	p0 =	seq.s32 s5, $0x0;
	s5 =	sld [smem:$0x3FAD]  }
0x2b: {  	s6 =	sld [smem:$0x3FAE]  }
0x2c: {  	s7 =	sld [smem:$0x3FAF]  }
0x2d: {  	s3 =	simm.s32 $0x108;
	s8 =	sld [smem:$0x3FB0]  }
0x2e: {  	s3 =	simm.s32 @!p0 $0x1082;
	s9 =	sld [smem:$0x3FB1]  }
0x2f: {  	lr =	sadd.s32 s0, s3;
	s0 =	sld [smem:$0x3FA8]  }
0x30: {  	s3 =	sld [smem:$0x3FAB]  }
0x31: {  	[smem:$0x3FB4] =	sst s10  }
0x32: {  	s10 =	sld [smem:$0x3FB2];
	_ =	sdelay $0x3  }
0x33: {  	p0 =	seq.s32 s10, $0x1;
	s10 =	sld [smem:$0x3FB4];
	_ =	sdelay $0x3  }
0x34: {  	[smem:$0x3FB4] =	sst s10  }
0x35: {  	s10 =	sld [smem:$0x3FB3];
	_ =	sdelay $0x3  }
0x36: {  	p1 =	seq.s32 s10, $0x1;
	s10 =	sld [smem:$0x3FB4];
	_ =	sdelay $0x3  }
0x37: {  	[smem:$0x3FB4] =	sst s10  }
0x38: {  	s10 =	sld [smem:$0x3FB5]  }
0x39: {  	_ = 	snop;
	(pc) =	sbr.ind lr, $3  }
0x3a: {  	_ = 	snop  }
0x3b: {  	_ = 	snop  }
0x3c: {  	p2 =	seq.s32 s10, $0x1;
	s10 =	sld [smem:$0x3FB4]  }
0x3d: {  	_ =	shalt  }
0x3e: {  	_ =	shalt  }
0x3f: {  	_ =	shalt  }
0x40: {  	_ =	shalt  }
0x41: {  	_ =	shalt  }
0x42: {  	_ =	shalt  }
0x43: {  	_ =	shalt  }
0x44: {  	_ =	shalt  }
0x45: {  	_ =	shalt  }
0x46: {  	_ =	shalt  }
0x47: {  	_ =	shalt  }
0x48: {  	_ =	shalt  }
0x49: {  	_ =	shalt  }
0x4a: {  	_ =	shalt  }
0x4b: {  	_ =	shalt  }
0x4c: {  	_ =	shalt  }
0x4d: {  	_ =	shalt  }
0x4e: {  	_ =	shalt  }
0x4f: {  	_ =	shalt  }
0x50: {  	_ =	shalt  }
0x51: {  	_ =	shalt  }
0x52: {  	_ =	shalt  }
0x53: {  	_ =	shalt  }
0x54: {  	_ =	shalt  }
0x55: {  	_ =	shalt  }
0x56: {  	_ =	shalt  }
0x57: {  	_ =	shalt  }
0x58: {  	_ =	shalt  }
0x59: {  	_ =	shalt  }
0x5a: {  	_ =	shalt  }
0x5b: {  	_ =	shalt  }
0x5c: {  	_ =	shalt  }
0x5d: {  	_ =	shalt  }
0x5e: {  	_ =	shalt  }
0x5f: {  	_ =	shalt  }
0x60: {  	_ =	shalt  }
0x61: {  	_ =	shalt  }
0x62: {  	_ =	shalt  }
0x63: {  	_ =	shalt  }
0x64: {  	_ =	shalt  }
0x65: {  	_ =	shalt  }
0x66: {  	_ =	shalt  }
0x67: {  	_ =	shalt  }
0x68: {  	_ =	shalt  }
0x69: {  	_ =	shalt  }
0x6a: {  	_ =	shalt  }
0x6b: {  	_ =	shalt  }
0x6c: {  	_ =	shalt  }
0x6d: {  	_ =	shalt  }
0x6e: {  	_ =	shalt  }
0x6f: {  	_ =	shalt  }
0x70: {  	_ =	shalt  }
0x71: {  	_ =	shalt  }
0x72: {  	_ =	shalt  }
0x73: {  	_ =	shalt  }
0x74: {  	_ =	shalt  }
0x75: {  	_ =	shalt  }
0x76: {  	_ =	shalt  }
0x77: {  	_ =	shalt  }
0x78: {  	_ =	shalt  }
0x79: {  	_ =	shalt  }
0x7a: {  	_ =	shalt  }
0x7b: {  	_ =	shalt  }
0x7c: {  	_ =	shalt  }
0x7d: {  	_ =	shalt  }
0x7e: {  	_ =	shalt  }
0x7f: {  	_ =	shalt  }
0x80: {  	_ =	shalt  }
0x81: {  	_ =	shalt  }
0x82: {  	_ =	shalt  }
0x83: {  	_ =	shalt  }
0x84: {  	_ =	shalt  }
0x85: {  	_ =	shalt  }
0x86: {  	_ =	shalt  }
0x87: {  	_ =	shalt  }
.Lfunc_end0:
.L_simem_size_0:
called_computation_lowered:
.L_overlay_start_0:
0x88: {  	s2 =	sld [smem:$0x3FD9]  }
0x89: {  	s3 =	sld [smem:$0x3FFE];
	_ =	sdelay $0x1  }
0x8a: {  	s1 =	srdreg.scid  }
0x8b: {  	s0 =	sand.u32 $0x1, s1  }
0x8c: {  	s17 =	sshll.u32 s0, $0xA;
	s2 =	sadd.s32 s3, s2  }
0x8d: {  	s2 =	sadd.s32 s2, s17  }
0x8e: {  	[smem:$0x3FC0] =	sst s2  }
0x8f: {  	_ = 	snop  }
0x90: {  	s2 =	sld [smem:$0x3FD0];
	(tm) =	ssettm $0x1  }
0x91: {  	s18 =	sld [smem:$0x3FFB];
	_ =	sdelay $0x3  }
0x92: {  	_ =	strace s18  }
0x93: {  	s3 =	sld [smem:$0x3FFC];
	_ =	sdelay $0x3  }
0x94: {  	_ =	strace s3  }
0x95: {  	s3 =	sld [smem:$0x3FFD];
	_ =	sdelay $0x3  }
0x96: {  	_ =	strace s3  }
0x97: {  	_ =	strace $0x8FFFFFFF  }
0x98: {  	s19 =	sld [smem:$0x3FDB];
	_ =	sdelay $0x1  }
0x99: {  	s4 =	simm.s32 $_scs_section_size  }
0x9a: {  	s5 =	simm.s32 $_size__tile_overlayer_lowered;
	s6 =	simm.s32 $_tile_overlayer_lowered  }
0x9b: {  	s22 =	simm.s32 $0x1BFF;
	s21 =	sshll.u32 s6, $0x1;
	s3 =	sadd.s32 s4, s19  }
0x9c: {  	s7 =	simm.s32 $0x0;
	s20 =	sshll.u32 s5, $0x1;
	s5 =	sadd.s32 s21, s3  }
0x9d: {  	[timem:s7], [sflag:s22] =	dma.local [hbm:s5], s20  }
0x9e: {  	_ =	swait.ge [sflag:s22], s20  }
0x9f: {  	s4 =	ssub.s32 $0x0, s20;
	[sflag:s22] =	ssyncset.done $0x0  }
0xa0: {  	[sflag:s22] =	ssyncadd.s32 s4;
	_ =	sdelay $0x1  }
0xa1: {  	s23 =	simm.s32 $0x1B8B  }
0xa2: {  	_ =	swait.ge [sflag:s23], $0x1  }
0xa3: {  	[sflag:s23] =	ssyncset.done $0x0  }
0xa4: {  	s25 =	simm.s32 $0x1B8E;
	s24 =	sld [smem:$0x3FFE];
	[sflag:s23] =	ssyncadd.s32 $0xFFFFFFFF  }
0xa5: {  	s26 =	simm.s32 $execute0_lowered;
	[smem:$0x3FD2] =	sst s25  }
0xa6: {  	s5 =	sshll.u32 s26, $0x1;
	_ =	strace $0x80000046;
	[dreg:$0x1] =	wrdreg $0xFFFFFFFF  }
0xa7: {  	s28 =	simm.s32 $_size_execute0_lowered;
	s3 =	sadd.s32 s3, s5;
	[dreg:$0x0] =	wrdreg $0x0  }
0xa8: {  	s5 =	sshll.u32 s28, $0x1;
	[dreg:$0x2] =	wrdreg s3  }
0xa9: {  	[dreg:$0x3] =	wrdreg s5  }
0xaa: {  	[dreg:$0x4] =	wrdreg $0xC0  }
0xab: {  	_ =	task [dreg:s7], $0x5FFFF  }
0xac: {  	[dreg:$0x1] =	wrdreg $0xFFFFFFFF  }
0xad: {  	[dreg:$0x0] =	wrdreg $0x60  }
0xae: {  	[dreg:$0x2] =	wrdreg s24  }
0xaf: {  	[dreg:$0x3] =	wrdreg s2  }
0xb0: {  	[dreg:$0x4] =	wrdreg $0x0  }
0xb1: {  	[dreg:$0x5] =	wrdreg $0x9  }
0xb2: {  	_ =	task.clear_ibuf [dreg:s7], $0x6FFFF;
	_ =	strace $0x90000046  }
0xb3: {  	s29 =	simm.s32 $0x9;
	_ =	strace $0x80000048  }
0xb4: {  	_ =	swait.ge [sflag:s29], $0x1  }
0xb5: {  	[sflag:s29] =	ssyncadd.s32 $0xFFFFFFFF  }
0xb6: {  	_ =	strace $0x90000048  }
0xb7: {  	_ =	sfence  }
0xb8: {  	s30 =	sld [smem:$0x0];
	_ =	sdelay $0x2  }
0xb9: {  	s31 =	sshll.u32 s1, $0xD;
	s1 =	sshrl.u32 s1, $0x2  }
0xba: {  	s3 =	sand.u32 $0x4000, s31;
	s1 =	sadd.s32 s1, s30  }
0xbb: {  	s0 =	sor.u32 s3, s0;
	s1 =	sshll.u32 s1, $0x11  }
0xbc: {  	s0 =	sor.u32 s1, s0  }
0xbd: {  	s0 =	sadd.s32 $0x8F2B, s0  }
0xbe: {  	[sflag:s0] =	ssyncadd.remote.s32 $0x1  }
0xbf: {  	_ =	sfence.sel $0xFFFF  }
0xc0: {  	[dreg:$0x0] =	wrdreg $0xFFFFFFFF;
	(pc) =	sbr.abs _section_cstart, $3  }
0xc1: {  	[dreg:$0x1] =	wrdreg $0xFFFFFFFF  }
0xc2: {  	_ =	task.clear_ibuf [dreg:s7], $0x2FFFF;
	_ =	strace $0x9FFFFFFF  }
0xc3: {  	(tm) =	ssettm $0x7FFFFFFF  }
tec
execute0_lowered:
.L_overlay_start_1:
0x0: {  	(tag) =	ssettag $0x1  }
0x1: {  	s6 =	rddreg [dreg:$0x0]  }
0x2: {  	s8 =	rddreg [dreg:$0x1]  }
0x3: {  	s2 =	rddreg [dreg:$0x2]  }
0x4: {  	s0 =	rddreg [dreg:$0x3];
	s3 =	srdreg.scid  }
0x5: {  	s1 =	stileid.u32;
	s15 =	simm.s32 $0x1;
	s16 =	simm.s32 $0x2  }
0x6: {  	s17 =	simm.s32 $0x3;
	s18 =	simm.s32 $0x50;
	s19 =	simm.s32 $0x19E80  }
0x7: {  	s20 =	simm.s32 $0x15010;
	s21 =	simm.s32 $0x1C900;
	s22 =	simm.s32 $0x15060  }
0x8: {  	s23 =	simm.s32 $0x17770;
	s24 =	simm.s32 $0x4;
	s25 =	simm.s32 $0x19DE0  }
0x9: {  	s26 =	simm.s32 $0x5;
	s28 =	simm.s32 $0x0;
	s5 =	sand.u32 $0x1, s3  }
0xa: {  	s4 =	sshll.u32 s1, $0x1;
	s7 =	smul.u32 $0x14FC0, s1;
	s3 =	simm.s32 $0x0  }
0xb: {  	s4 =	sor.u32 s5, s4;
	s9 =	smul.u32 $0x14FC00, s5;
	[smem:$0x7FF] =	sst s3  }
0xc: {  	s12 =	ssub.s32 $0x2, s5;
	s5 =	sadd.s32 $0x84000, s6;
	s10 =	smul.u32 $0x4E2, s4  }
0xd: {  	_ =	strace $0x80000047;
	s4 =	sadd.s32 $0x5A000, s6;
	s31 =	sshrl.u32 s12, $0x1  }
0xe: {  	s14 =	sadd.s32 s7, s2;
	s9 =	sadd.s32 s7, s9;
	s12 =	ssub.s32 s12, s31  }
0xf: {  	s11 =	sadd.s32 s10, s6;
	s9 =	sshrl.u32 s9, $0x3;
	s8 =	sadd.s32 s8, s10  }
0x10: {  	s13 =	sadd.s32 s9, s6;
	s6 =	sshll.u32 s1, $0x6;
	s9 =	sadd.s32 $0x1200, s11  }
0x11: {  	s11 =	smax.u32 s12, $0x1;
	s12 =	sshrl.u32 s14, $0x3;
	s14 =	simm.s32 $0x17720  }
0x12: {  	s7 =	sor.u32 $0x1C01, s6;
	s10 =	sadd.s32 $0x86A00, s13;
	s13 =	simm.s32 $0x14FC0  }
.LBB2_1:
0x13: {  	[spmem:s12], [sflag:s7] =	dma.local [hbm:s5], $0x29F8  }
0x14: {  	[tilespmem:s13], [sflag:$0x2] =	stream.linear.gather [hbm4b:s8+s3], $0x2760, $0x38;
	[tilespmem:$0x1F380] =	vst v63  }
0x15: {  	_ = 	snop  }
0x16: {  	[tilespmem:s14], [sflag:$0x3] =	stream.linear.gather [hbm4b:s9+s3], $0x2760, $0x38;
	[tilespmem:$0x1F380] =	vst v63  }
0x17: {  	_ =	swait.ge [sflag:s15], $0x29F8  }
0x18: {  	[sflag:s15] =	ssyncset.done $0x0  }
0x19: {  	[sflag:s15] =	ssyncadd.s32 $0xFFFFD608  }
0x1a: {  	_ =	swait.ge [sflag:s16], $0x2760  }
0x1b: {  	[sflag:s16] =	ssyncset.done $0x0  }
0x1c: {  	[sflag:s16] =	ssyncadd.s32 $0xFFFFD8A0  }
0x1d: {  	_ =	swait.ge [sflag:s17], $0x2760  }
0x1e: {  	[sflag:s17] =	ssyncset.done $0x0  }
0x1f: {  	[sflag:s17] =	ssyncadd.s32 $0xFFFFD8A0  }
0x20: {  	[bflag:$0x0] =	sbarrier.arrive $0xFFFF  }
0x21: {  	[tilespmem:s19], [sflag:$0x1] =	stream.indirect.gather [hbm4b:s4+s18], $0x88, s13, s18, $0xb8;
	[tilespmem:$0x1F380] =	vst v63  }
0x22: {  	_ =	swait.ge [sflag:s15], $0x2A80  }
0x23: {  	[sflag:s15] =	ssyncset.done $0x0  }
0x24: {  	[sflag:s15] =	ssyncadd.s32 $0xFFFFD580  }
0x25: {  	[tilespmem:s21], [sflag:$0x2] =	stream.indirect.gather [hbm4b:s4+s18], $0x88, s20, s18, $0xb8;
	[tilespmem:$0x1F380] =	vst v63  }
0x26: {  	_ = 	snop  }
0x27: {  	[spmem:s2] =	stream.indirect.scatter.add.f32 [tilespmem:s19], [sflag:$0x3], $0x88, s14, s18, $0xb8;
	[tilespmem:$0x1F380] =	vst v63  }
0x28: {  	_ =	swait.ge [sflag:s16], $0x2A80  }
0x29: {  	[sflag:s16] =	ssyncset.done $0x0  }
0x2a: {  	[sflag:s16] =	ssyncadd.s32 $0xFFFFD580  }
0x2b: {  	_ =	swait.ge [sflag:s17], $0x2A80  }
0x2c: {  	[sflag:s17] =	ssyncset.done $0x0  }
0x2d: {  	[sflag:s17] =	ssyncadd.s32 $0xFFFFD580  }
0x2e: {  	[tilespmem:s19], [sflag:$0x1] =	stream.indirect.gather [hbm4b:s4+s18], $0x88, s22, s18, $0xb8;
	[tilespmem:$0x1F380] =	vst v63  }
0x2f: {  	_ = 	snop  }
0x30: {  	[spmem:s2] =	stream.indirect.scatter.add.f32 [tilespmem:s21], [sflag:$0x4], $0x88, s23, s18, $0xb8;
	[tilespmem:$0x1F380] =	vst v63  }
0x31: {  	_ =	swait.ge [sflag:s15], $0x2A80  }
0x32: {  	[sflag:s15] =	ssyncset.done $0x0  }
0x33: {  	[sflag:s15] =	ssyncadd.s32 $0xFFFFD580  }
0x34: {  	_ =	swait.ge [sflag:s24], $0x2A80  }
0x35: {  	[sflag:s24] =	ssyncset.done $0x0  }
0x36: {  	s29 =	simm.s32 $0x150B0;
	[sflag:s24] =	ssyncadd.s32 $0xFFFFD580  }
0x37: {  	[tilespmem:s21], [sflag:$0x2] =	stream.indirect.gather [hbm4b:s4+s18], $0x88, s29, s18, $0xb8;
	[tilespmem:$0x1F380] =	vst v63  }
0x38: {  	s29 =	simm.s32 $0x177C0  }
0x39: {  	[spmem:s2] =	stream.indirect.scatter.add.f32 [tilespmem:s19], [sflag:$0x3], $0x88, s29, s18, $0xb8;
	[tilespmem:$0x1F380] =	vst v63  }
0x3a: {  	_ =	swait.ge [sflag:s16], $0x2A80  }
0x3b: {  	[sflag:s16] =	ssyncset.done $0x0  }
0x3c: {  	[sflag:s16] =	ssyncadd.s32 $0xFFFFD580  }
0x3d: {  	_ =	swait.ge [sflag:s17], $0x2A80  }
0x3e: {  	[sflag:s17] =	ssyncset.done $0x0  }
0x3f: {  	s29 =	simm.s32 $0x15100;
	[sflag:s17] =	ssyncadd.s32 $0xFFFFD580  }
0x40: {  	[tilespmem:s19], [sflag:$0x1] =	stream.indirect.gather [hbm4b:s4+s18], $0x88, s29, s18, $0xb8;
	[tilespmem:$0x1F380] =	vst v63  }
0x41: {  	s30 =	simm.s32 $0x17810;
	s29 =	simm.s32 $0xFFFF6A00  }
.LBB2_2:
0x42: {  	[spmem:s2] =	stream.indirect.scatter.add.f32 [tilespmem:s21], [sflag:$0x4], $0x88, s30, s18, $0xb8;
	[tilespmem:$0x1F380] =	vst v63  }
0x43: {  	s30 =	smov.u32 s29  }
0x44: {  	p0 =	sne.s32 s29, $0xFFFFFD80;
	s29 =	sadd.s32 $0x280, s29;
	_ =	swait.ge [sflag:s15], $0x2A80  }
0x45: {  	[sflag:s15] =	ssyncset.done $0x0  }
0x46: {  	[sflag:s15] =	ssyncadd.s32 $0xFFFFD580  }
0x47: {  	_ =	swait.ge [sflag:s24], $0x2A80  }
0x48: {  	s30 =	sshra.s32 s30, $0x2;
	[sflag:s24] =	ssyncset.done $0x0  }
0x49: {  	s31 =	sadd.s32 $0x176D0, s30;
	[sflag:s24] =	ssyncadd.s32 $0xFFFFD580  }
0x4a: {  	[tilespmem:s21], [sflag:$0x2] =	stream.indirect.gather [hbm4b:s4+s18], $0x88, s31, s18, $0xb8;
	[tilespmem:$0x1F380] =	vst v63  }
0x4b: {  	s31 =	sadd.s32 $0x19DE0, s30  }
0x4c: {  	[spmem:s2] =	stream.indirect.scatter.add.f32 [tilespmem:s19], [sflag:$0x3], $0x88, s31, s18, $0xb8;
	[tilespmem:$0x1F380] =	vst v63  }
0x4d: {  	_ =	swait.ge [sflag:s16], $0x2A80  }
0x4e: {  	[sflag:s16] =	ssyncset.done $0x0  }
0x4f: {  	[sflag:s16] =	ssyncadd.s32 $0xFFFFD580  }
.Ltmp0:
0x50: {  	_ =	swait.ge [sflag:s17], $0x2A80;
	(pc) =	sbr.rel @p0 .LBB2_2-.Ltmp0, $4  }
0x51: {  	[sflag:s17] =	ssyncset.done $0x0  }
0x52: {  	s31 =	sadd.s32 $0x17720, s30;
	[sflag:s17] =	ssyncadd.s32 $0xFFFFD580  }
0x53: {  	[tilespmem:s19], [sflag:$0x1] =	stream.indirect.gather [hbm4b:s4+s18], $0x88, s31, s18, $0xb8;
	[tilespmem:$0x1F380] =	vst v63  }
0x54: {  	s30 =	sadd.s32 $0x19E30, s30  }
0x55: {  	[spmem:s2] =	stream.indirect.scatter.add.f32 [tilespmem:s21], [sflag:$0x4], $0x88, s30, s18, $0xb8;
	[tilespmem:$0x1F380] =	vst v63  }
0x56: {  	_ =	swait.ge [sflag:s15], $0x2A80  }
0x57: {  	[sflag:s15] =	ssyncset.done $0x0  }
0x58: {  	[sflag:s15] =	ssyncadd.s32 $0xFFFFD580  }
0x59: {  	_ =	swait.ge [sflag:s24], $0x2A80  }
0x5a: {  	[sflag:s24] =	ssyncset.done $0x0  }
0x5b: {  	[sflag:s24] =	ssyncadd.s32 $0xFFFFD580  }
0x5c: {  	[spmem:s2] =	stream.indirect.scatter.add.f32 [tilespmem:s19], [sflag:$0x3], $0x88, s25, s18, $0xb8;
	[tilespmem:$0x1F380] =	vst v63  }
0x5d: {  	_ =	swait.ge [sflag:s17], $0x2A80  }
0x5e: {  	s28 =	sadd.s32 $0x1, s28;
	[sflag:s17] =	ssyncset.done $0x0  }
0x5f: {  	p0 =	sne.s32 s28, s11;
	[sflag:s17] =	ssyncadd.s32 $0xFFFFD580  }
.Ltmp1:
0x60: {  	s29 =	sor.u32 $0x1C05, s6;
	[bflag:$0x0] =	sbarrier.arrive $0xFFFF;
	(pc) =	sbr.rel @p0 .LBB2_1-.Ltmp1, $4  }
0x61: {  	[hbm:s10], [sflag:s29] =	dma.local [spmem:s12], $0x29F8  }
0x62: {  	_ =	swait.ge [sflag:s26], $0x29F8  }
0x63: {  	[sflag:s26] =	ssyncset.done $0x0  }
0x64: {  	[sflag:s26] =	ssyncadd.s32 $0xFFFFD608  }
0x65: {  	_ =	sfence.sel $0x180000  }
0x66: {  	[bflag:$0x0] =	sbarrier.arrive $0xFFFF  }
0x67: {  	p0 =	sne.s32 s1, $0x0;
	_ =	strace $0x90000047  }
0x68: {  	s0 =	sadd.s32 @!p0 $0x100000, s0;
	[bflag:$0x2] =	sbarrier.arrive $0xFFFF  }
0x69: {  	[sflag:s0] =	ssyncadd.tile.s32 @!p0 $0x1;
	_ =	shalt  }
.Lfunc_end2:
_tile_overlayer_lowered:
.L_overlay_start_2:
0x6a: {  	(tag) =	ssettag $0x2  }
0x6b: {  	s0 =	rddreg [dreg:$0x0];
	s2 =	stileid.u32  }
0x6c: {  	s1 =	rddreg [dreg:$0x1];
	p0 =	sne.s32 s2, $0x0  }
0x6d: {  	s3 =	rddreg [dreg:$0x2];
	[bflag:$0x3] =	sbarrier.arrive $0xFFFF;
	s2 =	simm.s32 @!p0 $0x1C05  }
0x6e: {  	[timem:s3], [sflag:s2] =	dma.local @!p0 [hbm:s0], s1  }
0x6f: {  	s0 =	simm.s32 @!p0 $0x5  }
0x70: {  	_ =	swait.ge @!p0 [sflag:s0], s1  }
0x71: {  	s1 =	ssub.s32 @!p0 $0x0, s1;
	[sflag:s0] =	ssyncset.done @!p0 $0x0  }
0x72: {  	[sflag:s0] =	ssyncadd.s32 @!p0 s1  }
0x73: {  	[bflag:$0x3] =	sbarrier.arrive $0xFFFF  }
0x74: {  	_ =	shalt  }

// kernel: kernel.9.cloned.1.call-start
scs
__scs_entry_jumppad:
0x0: {  	(pc) =	sbr.rel $0x88, $3  }
0x1: {  	(tag) =	ssettag $0x0;
	lr =	simm.s32 $0x1  }
0x2: {  	[smem:$0x3F99] =	sst lr;
	_ =	strace $0xD0000000  }
0x3: {  	_ = 	snop  }
0x4: {  	_ = 	snop  }
0x5: {  	_ = 	snop  }
0x6: {  	_ = 	snop  }
0x7: {  	_ = 	snop  }
__scs_overlays_trampoline_lowered:
0x8: {  	[smem:$0x3FA8] =	sst s0  }
0x9: {  	[smem:$0x3FA9] =	sst s1  }
0xa: {  	[smem:$0x3FAA] =	sst s2  }
0xb: {  	[smem:$0x3FAB] =	sst s3  }
0xc: {  	[smem:$0x3FAC] =	sst s4  }
0xd: {  	[smem:$0x3FAD] =	sst s5  }
0xe: {  	[smem:$0x3FAE] =	sst s6  }
0xf: {  	[smem:$0x3FAF] =	sst s7  }
0x10: {  	[smem:$0x3FB0] =	sst s8  }
0x11: {  	[smem:$0x3FB1] =	sst s9;
	s0 =	simm.s32 @!p0 $0x0  }
0x12: {  	s1 =	sld [smem:$0x3F97];
	s0 =	simm.s32 @p0 $0x1  }
0x13: {  	[smem:$0x3FB2] =	sst s0;
	s0 =	simm.s32 @!p1 $0x0  }
0x14: {  	s2 =	sld [smem:$0x3F96];
	s0 =	simm.s32 @p1 $0x1  }
0x15: {  	[smem:$0x3FB3] =	sst s0;
	s0 =	simm.s32 @!p2 $0x0  }
0x16: {  	s3 =	sld [smem:$0x3FDB];
	s0 =	simm.s32 @p2 $0x1  }
0x17: {  	s4 =	simm.s32 $0x1BF5;
	[smem:$0x3FB5] =	sst s0  }
0x18: {  	s0 =	sld [smem:$0x3F98];
	_ =	swait.ge [sflag:s4], $0x0  }
0x19: {  	s7 =	sld [smem:$0x3F99]  }
0x1a: {  	s8 =	sadd.s32 $0xFFFFE003, lr  }
0x1b: {  	s9 =	sadd.s32 $0xFFFFFEF7, lr;
	s5 =	simm.s32 $0xFFFFFFFF;
	p2 =	slt.u32 s8, $0xFFFFF086  }
0x1c: {  	p1 =	slt.u32 s9, $0xF7A;
	s5 =	simm.s32 @!p2 $0x0  }
0x1d: {  	s5 =	simm.s32 @p1 $0x1;
	p0 =	seq.s32 s7, s2  }
0x1e: {  	s7 =	smul.u32 @!p0 $0xF7A, s2;
	p2 =	seq.s32 @!p0 s5, $0x0  }
0x1f: {  	s9 =	smul.u32 $0xF7A, s1;
	s8 =	simm.s32 @!p0 $0x1BF5;
	p2 =	por !p2, p0  }
0x20: {  	[sflag:s8] =	ssyncset.s32 @!p0 $0xFFFFF086;
	s6 =	sadd.s32 @!p0 s3, s7;
	s7 =	simm.s32 @!p0 $0x108  }
0x21: {  	s3 =	sadd.s32 s3, s9;
	s6 =	sadd.s32 @!p0 $0x88, s6;
	s7 =	simm.s32 @p2 $0x1082  }
0x22: {  	[simem:s7], [sflag:s8] =	dma.local @!p0 [hbm:s6], $0xF7A  }
0x23: {  	s9 =	sor.u32 $0xD0000000, s2;
	s6 =	simm.s32 $0x108;
	_ =	swait.ge @!p0 [sflag:s8], $0x0  }
0x24: {  	s3 =	sadd.s32 $0x88, s3;
	s6 =	simm.s32 @!p1 $0x1082;
	[sflag:s4] =	ssyncset.s32 $0xFFFFF086  }
0x25: {  	[simem:s6], [sflag:s4] =	dma.local [hbm:s3], $0xF7A  }
0x26: {  	[smem:$0x3F99] =	sst s1;
	(tag) =	ssettag s2;
	_ =	strace s9  }
0x27: {  	s1 =	sld [smem:$0x3FA9]  }
0x28: {  	s2 =	sld [smem:$0x3FAA]  }
0x29: {  	s4 =	sld [smem:$0x3FAC]  }
0x2a: {  	p0 =	seq.s32 s5, $0x0;
	s5 =	sld [smem:$0x3FAD]  }
0x2b: {  	s6 =	sld [smem:$0x3FAE]  }
0x2c: {  	s7 =	sld [smem:$0x3FAF]  }
0x2d: {  	s3 =	simm.s32 $0x108;
	s8 =	sld [smem:$0x3FB0]  }
0x2e: {  	s3 =	simm.s32 @!p0 $0x1082;
	s9 =	sld [smem:$0x3FB1]  }
0x2f: {  	lr =	sadd.s32 s0, s3;
	s0 =	sld [smem:$0x3FA8]  }
0x30: {  	s3 =	sld [smem:$0x3FAB]  }
0x31: {  	[smem:$0x3FB4] =	sst s10  }
0x32: {  	s10 =	sld [smem:$0x3FB2];
	_ =	sdelay $0x3  }
0x33: {  	p0 =	seq.s32 s10, $0x1;
	s10 =	sld [smem:$0x3FB4];
	_ =	sdelay $0x3  }
0x34: {  	[smem:$0x3FB4] =	sst s10  }
0x35: {  	s10 =	sld [smem:$0x3FB3];
	_ =	sdelay $0x3  }
0x36: {  	p1 =	seq.s32 s10, $0x1;
	s10 =	sld [smem:$0x3FB4];
	_ =	sdelay $0x3  }
0x37: {  	[smem:$0x3FB4] =	sst s10  }
0x38: {  	s10 =	sld [smem:$0x3FB5]  }
0x39: {  	_ = 	snop;
	(pc) =	sbr.ind lr, $3  }
0x3a: {  	_ = 	snop  }
0x3b: {  	_ = 	snop  }
0x3c: {  	p2 =	seq.s32 s10, $0x1;
	s10 =	sld [smem:$0x3FB4]  }
0x3d: {  	_ =	shalt  }
0x3e: {  	_ =	shalt  }
0x3f: {  	_ =	shalt  }
0x40: {  	_ =	shalt  }
0x41: {  	_ =	shalt  }
0x42: {  	_ =	shalt  }
0x43: {  	_ =	shalt  }
0x44: {  	_ =	shalt  }
0x45: {  	_ =	shalt  }
0x46: {  	_ =	shalt  }
0x47: {  	_ =	shalt  }
0x48: {  	_ =	shalt  }
0x49: {  	_ =	shalt  }
0x4a: {  	_ =	shalt  }
0x4b: {  	_ =	shalt  }
0x4c: {  	_ =	shalt  }
0x4d: {  	_ =	shalt  }
0x4e: {  	_ =	shalt  }
0x4f: {  	_ =	shalt  }
0x50: {  	_ =	shalt  }
0x51: {  	_ =	shalt  }
0x52: {  	_ =	shalt  }
0x53: {  	_ =	shalt  }
0x54: {  	_ =	shalt  }
0x55: {  	_ =	shalt  }
0x56: {  	_ =	shalt  }
0x57: {  	_ =	shalt  }
0x58: {  	_ =	shalt  }
0x59: {  	_ =	shalt  }
0x5a: {  	_ =	shalt  }
0x5b: {  	_ =	shalt  }
0x5c: {  	_ =	shalt  }
0x5d: {  	_ =	shalt  }
0x5e: {  	_ =	shalt  }
0x5f: {  	_ =	shalt  }
0x60: {  	_ =	shalt  }
0x61: {  	_ =	shalt  }
0x62: {  	_ =	shalt  }
0x63: {  	_ =	shalt  }
0x64: {  	_ =	shalt  }
0x65: {  	_ =	shalt  }
0x66: {  	_ =	shalt  }
0x67: {  	_ =	shalt  }
0x68: {  	_ =	shalt  }
0x69: {  	_ =	shalt  }
0x6a: {  	_ =	shalt  }
0x6b: {  	_ =	shalt  }
0x6c: {  	_ =	shalt  }
0x6d: {  	_ =	shalt  }
0x6e: {  	_ =	shalt  }
0x6f: {  	_ =	shalt  }
0x70: {  	_ =	shalt  }
0x71: {  	_ =	shalt  }
0x72: {  	_ =	shalt  }
0x73: {  	_ =	shalt  }
0x74: {  	_ =	shalt  }
0x75: {  	_ =	shalt  }
0x76: {  	_ =	shalt  }
0x77: {  	_ =	shalt  }
0x78: {  	_ =	shalt  }
0x79: {  	_ =	shalt  }
0x7a: {  	_ =	shalt  }
0x7b: {  	_ =	shalt  }
0x7c: {  	_ =	shalt  }
0x7d: {  	_ =	shalt  }
0x7e: {  	_ =	shalt  }
0x7f: {  	_ =	shalt  }
0x80: {  	_ =	shalt  }
0x81: {  	_ =	shalt  }
0x82: {  	_ =	shalt  }
0x83: {  	_ =	shalt  }
0x84: {  	_ =	shalt  }
0x85: {  	_ =	shalt  }
0x86: {  	_ =	shalt  }
0x87: {  	_ =	shalt  }
.Lfunc_end0:
.L_simem_size_0:
called_computation.1_lowered:
.L_overlay_start_0:
0x88: {  	s2 =	sld [smem:$0x3FD9]  }
0x89: {  	s3 =	sld [smem:$0x3FFE];
	_ =	sdelay $0x1  }
0x8a: {  	s1 =	srdreg.scid  }
0x8b: {  	s0 =	sand.u32 $0x1, s1  }
0x8c: {  	s17 =	sshll.u32 s0, $0xA;
	s2 =	sadd.s32 s3, s2  }
0x8d: {  	s2 =	sadd.s32 s2, s17  }
0x8e: {  	[smem:$0x3FC0] =	sst s2  }
0x8f: {  	_ = 	snop  }
0x90: {  	s2 =	sld [smem:$0x3FD0];
	(tm) =	ssettm $0x1  }
0x91: {  	s18 =	sld [smem:$0x3FFB];
	_ =	sdelay $0x3  }
0x92: {  	_ =	strace s18  }
0x93: {  	s3 =	sld [smem:$0x3FFC];
	_ =	sdelay $0x3  }
0x94: {  	_ =	strace s3  }
0x95: {  	s3 =	sld [smem:$0x3FFD];
	_ =	sdelay $0x3  }
0x96: {  	_ =	strace s3  }
0x97: {  	_ =	strace $0x8FFFFFFF  }
0x98: {  	s19 =	sld [smem:$0x3FDB];
	_ =	sdelay $0x1  }
0x99: {  	s4 =	simm.s32 $_scs_section_size  }
0x9a: {  	s5 =	simm.s32 $_size__tile_overlayer_lowered;
	s6 =	simm.s32 $_tile_overlayer_lowered  }
0x9b: {  	s22 =	simm.s32 $0x1BFF;
	s21 =	sshll.u32 s6, $0x1;
	s3 =	sadd.s32 s4, s19  }
0x9c: {  	s7 =	simm.s32 $0x0;
	s20 =	sshll.u32 s5, $0x1;
	s5 =	sadd.s32 s21, s3  }
0x9d: {  	[timem:s7], [sflag:s22] =	dma.local [hbm:s5], s20  }
0x9e: {  	_ =	swait.ge [sflag:s22], s20  }
0x9f: {  	s4 =	ssub.s32 $0x0, s20;
	[sflag:s22] =	ssyncset.done $0x0  }
0xa0: {  	[sflag:s22] =	ssyncadd.s32 s4;
	_ =	sdelay $0x1  }
0xa1: {  	s23 =	simm.s32 $0x1B8B  }
0xa2: {  	_ =	swait.ge [sflag:s23], $0x1  }
0xa3: {  	[sflag:s23] =	ssyncset.done $0x0  }
0xa4: {  	s25 =	simm.s32 $0x1B8E;
	s24 =	sld [smem:$0x3FFE];
	[sflag:s23] =	ssyncadd.s32 $0xFFFFFFFF  }
0xa5: {  	s26 =	simm.s32 $execute0_lowered;
	[smem:$0x3FD2] =	sst s25  }
0xa6: {  	s5 =	sshll.u32 s26, $0x1;
	_ =	strace $0x80000049;
	[dreg:$0x1] =	wrdreg $0xFFFFFFFF  }
0xa7: {  	s28 =	simm.s32 $_size_execute0_lowered;
	s3 =	sadd.s32 s3, s5;
	[dreg:$0x0] =	wrdreg $0x0  }
0xa8: {  	s5 =	sshll.u32 s28, $0x1;
	[dreg:$0x2] =	wrdreg s3  }
0xa9: {  	[dreg:$0x3] =	wrdreg s5  }
0xaa: {  	[dreg:$0x4] =	wrdreg $0xC0  }
0xab: {  	_ =	task [dreg:s7], $0x5FFFF  }
0xac: {  	[dreg:$0x1] =	wrdreg $0xFFFFFFFF  }
0xad: {  	[dreg:$0x0] =	wrdreg $0x60  }
0xae: {  	[dreg:$0x2] =	wrdreg s24  }
0xaf: {  	[dreg:$0x3] =	wrdreg s2  }
0xb0: {  	[dreg:$0x4] =	wrdreg $0x0  }
0xb1: {  	[dreg:$0x5] =	wrdreg $0x9  }
0xb2: {  	_ =	task.clear_ibuf [dreg:s7], $0x6FFFF;
	_ =	strace $0x90000049  }
0xb3: {  	s29 =	simm.s32 $0x9;
	_ =	strace $0x8000004B  }
0xb4: {  	_ =	swait.ge [sflag:s29], $0x1  }
0xb5: {  	[sflag:s29] =	ssyncadd.s32 $0xFFFFFFFF  }
0xb6: {  	_ =	strace $0x9000004B  }
0xb7: {  	_ =	sfence  }
0xb8: {  	s30 =	sld [smem:$0x0];
	_ =	sdelay $0x2  }
0xb9: {  	s31 =	sshll.u32 s1, $0xD;
	s1 =	sshrl.u32 s1, $0x2  }
0xba: {  	s3 =	sand.u32 $0x4000, s31;
	s1 =	sadd.s32 s1, s30  }
0xbb: {  	s0 =	sor.u32 s3, s0;
	s1 =	sshll.u32 s1, $0x11  }
0xbc: {  	s0 =	sor.u32 s1, s0  }
0xbd: {  	s0 =	sadd.s32 $0x8F2B, s0  }
0xbe: {  	[sflag:s0] =	ssyncadd.remote.s32 $0x1  }
0xbf: {  	_ =	sfence.sel $0xFFFF  }
0xc0: {  	[dreg:$0x0] =	wrdreg $0xFFFFFFFF;
	(pc) =	sbr.abs _section_cstart, $3  }
0xc1: {  	[dreg:$0x1] =	wrdreg $0xFFFFFFFF  }
0xc2: {  	_ =	task.clear_ibuf [dreg:s7], $0x2FFFF;
	_ =	strace $0x9FFFFFFF  }
0xc3: {  	(tm) =	ssettm $0x7FFFFFFF  }
tec
execute0_lowered:
.L_overlay_start_1:
0x0: {  	(tag) =	ssettag $0x1  }
0x1: {  	s1 =	srdreg.scid;
	s0 =	stileid.u32  }
0x2: {  	s6 =	rddreg [dreg:$0x0];
	s4 =	simm.s32 $0x0;
	s13 =	simm.s32 $0x7680  }
0x3: {  	s14 =	simm.s32 $0x9E00;
	s15 =	simm.s32 $0x1;
	s16 =	simm.s32 $0x2  }
0x4: {  	s17 =	simm.s32 $0x4;
	s18 =	simm.s32 $0x80;
	s19 =	simm.s32 $0xC580  }
0x5: {  	s20 =	simm.s32 $0x7700;
	s21 =	simm.s32 $0xDD80;
	s22 =	simm.s32 $0x7780  }
0x6: {  	s23 =	simm.s32 $0xF580;
	s24 =	simm.s32 $0x9E80;
	s25 =	simm.s32 $0x3  }
0x7: {  	s28 =	simm.s32 $0x6;
	s29 =	simm.s32 $0x7;
	s30 =	simm.s32 $0x0  }
0x8: {  	s1 =	sand.u32 $0x1, s1;
	s3 =	sshll.u32 s0, $0x1;
	s8 =	smul.u32 $0x7680, s0  }
0x9: {  	[smem:$0x7FF] =	sst s4;
	p0 =	sgt.u32 s0, $0x1;
	s5 =	sor.u32 s1, s3  }
0xa: {  	s3 =	rddreg [dreg:$0x2];
	s9 =	smul.u32 $0x76800, s1;
	_ =	strace $0x8000004A  }
0xb: {  	s1 =	ssub.s32 $0x2, s1;
	s7 =	smul.u32 $0x4E, s5;
	s10 =	smin.u32 s5, $0x4  }
0xc: {  	s5 =	sadd.s32 $0x1200, s6;
	s31 =	sshrl.u32 s1, $0x1;
	s12 =	sadd.s32 s8, s3  }
0xd: {  	s9 =	sadd.s32 s8, s9;
	s1 =	ssub.s32 s1, s31;
	s7 =	sadd.s32 s10, s7  }
0xe: {  	s12 =	sshrl.u32 s12, $0x3;
	s9 =	sshrl.u32 s9, $0x3;
	s7 =	sshll.u32 s7, $0x4  }
0xf: {  	s11 =	sadd.s32 s9, s6;
	s26 =	sadd.s32 s7, s6;
	s6 =	sshll.u32 s0, $0x6  }
0x10: {  	s10 =	sadd.s32 $0x10000, s11;
	s11 =	smax.u32 s1, $0x1;
	s7 =	sor.u32 $0x1C01, s6  }
0x11: {  	s8 =	sadd.s32 $0xE4800, s26;
	s9 =	sadd.s32 $0xDAA00, s26;
	s26 =	simm.s32 $0x5  }
.LBB2_1:
0x12: {  	s0 =	rddreg [dreg:$0x1]  }
0x13: {  	[spmem:s12], [sflag:s7] =	dma.local [hbm:s0], $0xED0  }
0x14: {  	[tilespmem:s13], [sflag:$0x2] =	stream.linear.gather [hbm4b:s8+s4], $0x2780, $0x38;
	[tilespmem:$0x10D80] =	vst v63  }
0x15: {  	_ = 	snop  }
0x16: {  	[tilespmem:s14], [sflag:$0x4] =	stream.linear.gather [hbm4b:s9+s4], $0x2780, $0x38;
	[tilespmem:$0x10D80] =	vst v63  }
0x17: {  	_ =	swait.ge [sflag:s15], $0xED0  }
0x18: {  	[sflag:s15] =	ssyncset.done $0x0  }
0x19: {  	[sflag:s15] =	ssyncadd.s32 $0xFFFFF130  }
0x1a: {  	_ =	swait.ge [sflag:s16], $0x2780  }
0x1b: {  	[sflag:s16] =	ssyncset.done $0x0  }
0x1c: {  	[sflag:s16] =	ssyncadd.s32 $0xFFFFD880  }
0x1d: {  	_ =	swait.ge [sflag:s17], $0x2780  }
0x1e: {  	[sflag:s17] =	ssyncset.done $0x0  }
0x1f: {  	[sflag:s17] =	ssyncadd.s32 $0xFFFFD880  }
0x20: {  	[bflag:$0x0] =	sbarrier.arrive $0xFFFF  }
0x21: {  	[tilespmem:s19], [sflag:$0x1] =	stream.indirect.gather [hbm4b:s5+s18], $0x30, s13, s18, $0xb8;
	[tilespmem:$0x10D80] =	vst v63  }
0x22: {  	_ =	swait.ge [sflag:s15], $0x1800  }
0x23: {  	[sflag:s15] =	ssyncset.done $0x0  }
0x24: {  	[sflag:s15] =	ssyncadd.s32 $0xFFFFE800  }
0x25: {  	[tilespmem:s21], [sflag:$0x2] =	stream.indirect.gather [hbm4b:s5+s18], $0x30, s20, s18, $0xb8;
	[tilespmem:$0x10D80] =	vst v63  }
0x26: {  	_ = 	snop  }
0x27: {  	[spmem:s3] =	stream.indirect.scatter.add.f32 [tilespmem:s19], [sflag:$0x4], $0x30, s14, s18, $0xb8;
	[tilespmem:$0x10D80] =	vst v63  }
0x28: {  	_ =	swait.ge [sflag:s16], $0x1800  }
0x29: {  	[sflag:s16] =	ssyncset.done $0x0  }
0x2a: {  	[sflag:s16] =	ssyncadd.s32 $0xFFFFE800  }
0x2b: {  	[tilespmem:s23], [sflag:$0x3] =	stream.indirect.gather [hbm4b:s5+s18], $0x30, s22, s18, $0xb8;
	[tilespmem:$0x10D80] =	vst v63  }
0x2c: {  	_ = 	snop  }
0x2d: {  	[spmem:s3] =	stream.indirect.scatter.add.f32 [tilespmem:s21], [sflag:$0x5], $0x30, s24, s18, $0xb8;
	[tilespmem:$0x10D80] =	vst v63  }
0x2e: {  	_ =	swait.ge [sflag:s25], $0x1800  }
0x2f: {  	[sflag:s25] =	ssyncset.done $0x0  }
0x30: {  	[sflag:s25] =	ssyncadd.s32 $0xFFFFE800  }
0x31: {  	_ =	swait.ge [sflag:s17], $0x1800  }
0x32: {  	[sflag:s17] =	ssyncset.done $0x0  }
0x33: {  	s1 =	simm.s32 $0x7800;
	[sflag:s17] =	ssyncadd.s32 $0xFFFFE800  }
0x34: {  	[tilespmem:s19], [sflag:$0x1] =	stream.indirect.gather [hbm4b:s5+s18], $0x30, s1, s18, $0xb8;
	[tilespmem:$0x10D80] =	vst v63  }
0x35: {  	s0 =	simm.s32 $0x9F00  }
0x36: {  	[spmem:s3] =	stream.indirect.scatter.add.f32 [tilespmem:s23], [sflag:$0x6], $0x30, s0, s18, $0xb8;
	[tilespmem:$0x10D80] =	vst v63  }
0x37: {  	_ =	swait.ge [sflag:s15], $0x1800  }
0x38: {  	[sflag:s15] =	ssyncset.done $0x0  }
0x39: {  	[sflag:s15] =	ssyncadd.s32 $0xFFFFE800  }
0x3a: {  	_ =	swait.ge [sflag:s26], $0x1800  }
0x3b: {  	[sflag:s26] =	ssyncset.done $0x0  }
0x3c: {  	s2 =	simm.s32 $0x7880;
	[sflag:s26] =	ssyncadd.s32 $0xFFFFE800  }
0x3d: {  	[tilespmem:s21], [sflag:$0x2] =	stream.indirect.gather [hbm4b:s5+s18], $0x30, s2, s18, $0xb8;
	[tilespmem:$0x10D80] =	vst v63  }
0x3e: {  	s0 =	simm.s32 $0x9F80  }
0x3f: {  	[spmem:s3] =	stream.indirect.scatter.add.f32 [tilespmem:s19], [sflag:$0x4], $0x30, s0, s18, $0xb8;
	[tilespmem:$0x10D80] =	vst v63  }
0x40: {  	_ =	swait.ge [sflag:s16], $0x1800  }
0x41: {  	[sflag:s16] =	ssyncset.done $0x0  }
0x42: {  	[sflag:s16] =	ssyncadd.s32 $0xFFFFE800  }
0x43: {  	_ =	swait.ge [sflag:s28], $0x1800  }
0x44: {  	s31 =	simm.s32 $0x600;
	[sflag:s28] =	ssyncset.done $0x0  }
0x45: {  	s1 =	simm.s32 $0xA000;
	s2 =	simm.s32 $0x7900;
	[sflag:s28] =	ssyncadd.s32 $0xFFFFE800  }
0x46: {  	[tilespmem:s23], [sflag:$0x3] =	stream.indirect.gather [hbm4b:s5+s18], $0x30, s2, s18, $0xb8;
	[tilespmem:$0x10D80] =	vst v63  }
.LBB2_2:
0x47: {  	[spmem:s3] =	stream.indirect.scatter.add.f32 [tilespmem:s21], [sflag:$0x5], $0x30, s1, s18, $0xb8;
	[tilespmem:$0x10D80] =	vst v63  }
0x48: {  	s1 =	smov.u32 s31  }
0x49: {  	p1 =	sne.s32 s31, $0x9000;
	s31 =	sadd.s32 $0x600, s31;
	_ =	swait.ge [sflag:s25], $0x1800  }
0x4a: {  	[sflag:s25] =	ssyncset.done $0x0  }
0x4b: {  	[sflag:s25] =	ssyncadd.s32 $0xFFFFE800  }
0x4c: {  	_ =	swait.ge [sflag:s17], $0x1800  }
0x4d: {  	s1 =	sshra.s32 s1, $0x2;
	[sflag:s17] =	ssyncset.done $0x0  }
0x4e: {  	s0 =	sadd.s32 $0x7800, s1;
	[sflag:s17] =	ssyncadd.s32 $0xFFFFE800  }
0x4f: {  	[tilespmem:s19], [sflag:$0x1] =	stream.indirect.gather [hbm4b:s5+s18], $0x30, s0, s18, $0xb8;
	[tilespmem:$0x10D80] =	vst v63  }
0x50: {  	s0 =	sadd.s32 $0x9F00, s1  }
0x51: {  	[spmem:s3] =	stream.indirect.scatter.add.f32 [tilespmem:s23], [sflag:$0x6], $0x30, s0, s18, $0xb8;
	[tilespmem:$0x10D80] =	vst v63  }
0x52: {  	_ =	swait.ge [sflag:s15], $0x1800  }
0x53: {  	[sflag:s15] =	ssyncset.done $0x0  }
0x54: {  	[sflag:s15] =	ssyncadd.s32 $0xFFFFE800  }
0x55: {  	_ =	swait.ge [sflag:s26], $0x1800  }
0x56: {  	[sflag:s26] =	ssyncset.done $0x0  }
0x57: {  	s0 =	sadd.s32 $0x7880, s1;
	[sflag:s26] =	ssyncadd.s32 $0xFFFFE800  }
0x58: {  	[tilespmem:s21], [sflag:$0x2] =	stream.indirect.gather [hbm4b:s5+s18], $0x30, s0, s18, $0xb8;
	[tilespmem:$0x10D80] =	vst v63  }
0x59: {  	s0 =	sadd.s32 $0x9F80, s1  }
0x5a: {  	[spmem:s3] =	stream.indirect.scatter.add.f32 [tilespmem:s19], [sflag:$0x4], $0x30, s0, s18, $0xb8;
	[tilespmem:$0x10D80] =	vst v63  }
0x5b: {  	_ =	swait.ge [sflag:s16], $0x1800  }
0x5c: {  	[sflag:s16] =	ssyncset.done $0x0  }
0x5d: {  	[sflag:s16] =	ssyncadd.s32 $0xFFFFE800  }
.Ltmp0:
0x5e: {  	_ =	swait.ge [sflag:s28], $0x1800;
	(pc) =	sbr.rel @p1 .LBB2_2-.Ltmp0, $4  }
0x5f: {  	[sflag:s28] =	ssyncset.done $0x0  }
0x60: {  	s0 =	sadd.s32 $0x7900, s1;
	[sflag:s28] =	ssyncadd.s32 $0xFFFFE800  }
0x61: {  	[tilespmem:s23], [sflag:$0x3] =	stream.indirect.gather [hbm4b:s5+s18], $0x30, s0, s18, $0xb8;
	[tilespmem:$0x10D80] =	vst v63  }
0x62: {  	s1 =	sadd.s32 $0xA000, s1  }
0x63: {  	[spmem:s3] =	stream.indirect.scatter.add.f32 [tilespmem:s21], [sflag:$0x5], $0x30, s1, s18, $0xb8;
	[tilespmem:$0x10D80] =	vst v63  }
0x64: {  	_ =	swait.ge [sflag:s25], $0x1800  }
0x65: {  	[sflag:s25] =	ssyncset.done $0x0  }
0x66: {  	[sflag:s25] =	ssyncadd.s32 $0xFFFFE800  }
0x67: {  	_ =	swait.ge [sflag:s17], $0x1800  }
0x68: {  	s0 =	simm.s32 @p0 $0x80;
	[sflag:s17] =	ssyncset.done $0x0  }
0x69: {  	s1 =	simm.s32 @p0 $0xC480;
	s31 =	simm.s32 @p0 $0xF580;
	[sflag:s17] =	ssyncadd.s32 $0xFFFFE800  }
0x6a: {  	[spmem:s3] =	stream.indirect.scatter.add.f32 @p0 [tilespmem:s31], [sflag:$0x6], $0x30, s1, s0, $0xb8;
	[tilespmem:$0x10D80] =	vst v63  }
0x6b: {  	s0 =	simm.s32 @!p0 $0x80;
	s1 =	simm.s32 @!p0 $0x9D80;
	s31 =	simm.s32 @!p0 $0xC580  }
0x6c: {  	[tilespmem:s31], [sflag:$0x1] =	stream.indirect.gather @!p0 [hbm4b:s5+s0], $0x30, s1, s0, $0xb8;
	[tilespmem:$0x10D80] =	vst v63  }
0x6d: {  	s2 =	simm.s32 @!p0 $0xF580;
	s1 =	simm.s32 @!p0 $0xC480  }
0x6e: {  	[spmem:s3] =	stream.indirect.scatter.add.f32 @!p0 [tilespmem:s2], [sflag:$0x6], $0x30, s1, s0, $0xb8;
	[tilespmem:$0x10D80] =	vst v63  }
0x6f: {  	s1 =	simm.s32 @!p0 $0x1  }
0x70: {  	_ =	swait.ge @!p0 [sflag:s1], $0x1800  }
0x71: {  	[sflag:s1] =	ssyncset.done @!p0 $0x0  }
0x72: {  	[sflag:s1] =	ssyncadd.s32 @!p0 $0xFFFFE800;
	s1 =	simm.s32 @!p0 $0xC500  }
0x73: {  	[spmem:s3] =	stream.indirect.scatter.add.f32 @!p0 [tilespmem:s31], [sflag:$0x4], $0x30, s1, s0, $0xb8;
	[tilespmem:$0x10D80] =	vst v63  }
0x74: {  	s0 =	simm.s32 @!p0 $0x5  }
0x75: {  	_ =	swait.ge @!p0 [sflag:s0], $0x1800  }
0x76: {  	s1 =	simm.s32 @!p0 $0x6;
	[sflag:s0] =	ssyncset.done @!p0 $0x0  }
0x77: {  	s1 =	simm.s32 @p0 $0x5;
	[sflag:s0] =	ssyncadd.s32 @!p0 $0xFFFFE800  }
0x78: {  	_ =	swait.ge [sflag:s1], $0x1800  }
0x79: {  	s0 =	simm.s32 @!p0 $0x4;
	[sflag:s1] =	ssyncset.done $0x0  }
0x7a: {  	s0 =	simm.s32 @p0 $0x6;
	[sflag:s1] =	ssyncadd.s32 $0xFFFFE800  }
0x7b: {  	_ =	swait.ge [sflag:s0], $0x1800  }
0x7c: {  	s30 =	sadd.s32 $0x1, s30;
	[sflag:s0] =	ssyncset.done $0x0  }
0x7d: {  	p1 =	sne.s32 s30, s11;
	[sflag:s0] =	ssyncadd.s32 $0xFFFFE800  }
.Ltmp1:
0x7e: {  	s31 =	sor.u32 $0x1C07, s6;
	[bflag:$0x0] =	sbarrier.arrive $0xFFFF;
	(pc) =	sbr.rel @p1 .LBB2_1-.Ltmp1, $4  }
0x7f: {  	[hbm:s10], [sflag:s31] =	dma.local [spmem:s12], $0xED0  }
0x80: {  	_ =	swait.ge [sflag:s29], $0xED0  }
0x81: {  	[sflag:s29] =	ssyncset.done $0x0  }
0x82: {  	[sflag:s29] =	ssyncadd.s32 $0xFFFFF130  }
0x83: {  	_ =	sfence.sel $0x180000  }
0x84: {  	[bflag:$0x0] =	sbarrier.arrive $0xFFFF  }
0x85: {  	_ =	strace $0x9000004A  }
0x86: {  	s0 =	stileid.u32;
	[bflag:$0x2] =	sbarrier.arrive $0xFFFF  }
0x87: {  	p0 =	sne.s32 s0, $0x0;
	s0 =	rddreg [dreg:$0x3]  }
0x88: {  	s0 =	sadd.s32 @!p0 $0x100000, s0  }
0x89: {  	[sflag:s0] =	ssyncadd.tile.s32 @!p0 $0x1;
	_ =	shalt  }
.Lfunc_end2:
_tile_overlayer_lowered:
.L_overlay_start_2:
0x8a: {  	(tag) =	ssettag $0x2  }
0x8b: {  	s0 =	rddreg [dreg:$0x0];
	s2 =	stileid.u32  }
0x8c: {  	s1 =	rddreg [dreg:$0x1];
	p0 =	sne.s32 s2, $0x0  }
0x8d: {  	s3 =	rddreg [dreg:$0x2];
	[bflag:$0x3] =	sbarrier.arrive $0xFFFF;
	s2 =	simm.s32 @!p0 $0x1C07  }
0x8e: {  	[timem:s3], [sflag:s2] =	dma.local @!p0 [hbm:s0], s1  }
0x8f: {  	s0 =	simm.s32 @!p0 $0x7  }
0x90: {  	_ =	swait.ge @!p0 [sflag:s0], s1  }
0x91: {  	s1 =	ssub.s32 @!p0 $0x0, s1;
	[sflag:s0] =	ssyncset.done @!p0 $0x0  }
0x92: {  	[sflag:s0] =	ssyncadd.s32 @!p0 s1  }
0x93: {  	[bflag:$0x3] =	sbarrier.arrive $0xFFFF  }
0x94: {  	_ =	shalt  }

</sc_bundles>
